<compile_context>
chip_gen: v7x
topology: tpu7x:2x2x1
jax: 0.10.2.dev20260603
libtpu: 0.0.44.dev20260713+nightly
codegen_flags: <defaults>
</compile_context>

<pallas_src>
import functools

import jax
import jax.numpy as jnp
from jax import lax
from jax.experimental import pallas as pl
from jax.experimental.pallas import tpu as pltpu
from jax.experimental.pallas import tpu_sc as plsc

BATCH = 16384
HIST = 50
EMBED_DIM = 32

_G = 128
_NBLK = HIST * (BATCH // _G)
_NW = 32
_BPW = _NBLK // _NW
_TPH = BATCH // _G
_HROWS = 3


def _make_gather():
    mesh = plsc.VectorSubcoreMesh(core_axis_name="c", subcore_axis_name="s")

    @functools.partial(
        pl.kernel,
        mesh=mesh,
        out_type=jax.ShapeDtypeStruct((HIST * 4 * _TPH, 8 * _G), jnp.float32),
        scratch_types=[
            pltpu.VMEM((_HROWS, BATCH), jnp.int32),
            pltpu.VMEM((_G, EMBED_DIM), jnp.float32),
            pltpu.VMEM((_G, EMBED_DIM), jnp.float32),
            pltpu.VMEM((EMBED_DIM * _G,), jnp.float32),
            pltpu.VMEM((EMBED_DIM * _G,), jnp.float32),
            pltpu.SemaphoreType.DMA,
            pltpu.SemaphoreType.DMA,
            pltpu.SemaphoreType.DMA,
            pltpu.SemaphoreType.DMA,
        ],
        compiler_params=pltpu.CompilerParams(use_tc_tiling_on_sc=False,
                                             needs_layout_passes=False,
                                             disable_bounds_checks=True),
    )
    def gather_kernel(idx_hbm, table_hbm, out_hbm, idx_v,
                      rows0, rows1, t0, t1, gs0, gs1, os0, os1):
        rows = (rows0, rows1)
        tile = (t0, t1)
        gsem = (gs0, gs1)
        osem = (os0, os1)
        wid = lax.axis_index("s") * 2 + lax.axis_index("c")
        blk_base = wid * _BPW
        h0 = jnp.minimum(blk_base // _TPH, HIST - _HROWS)
        pltpu.sync_copy(idx_hbm.at[pl.ds(h0, _HROWS)], idx_v)

        lane = lax.iota(jnp.int32, 16)
        dv128 = [(lane + h * 16) * _G for h in range(2)]

        def fire_gather(i, rb):
            j = blk_base + i
            r = j // _TPH - h0
            off = (j % _TPH) * _G
            pltpu.async_copy(table_hbm.at[idx_v.at[r, pl.ds(off, _G)]],
                             rows[rb], gsem[rb])

        def drain_gather(rb):
            pltpu.make_async_copy(table_hbm.at[pl.ds(0, _G)],
                                  rows[rb], gsem[rb]).wait()

        def transpose(rb, tb):
            @plsc.parallel_loop(0, _G, step=1, unroll=16)
            def _(b1):
                for h in range(2):
                    v = rows[rb][b1, pl.ds(h * 16, 16)]
                    plsc.store_scatter(tile[tb], [dv128[h] + b1], v)

        def fire_out(i, tb):
            j = blk_base + i
            row0 = (j // _TPH) * 512 + (j % _TPH)
            for dt in range(4):
                pltpu.async_copy(tile[tb].at[pl.ds(dt * 8 * _G, 8 * _G)],
                                 out_hbm.at[row0 + dt * _TPH], osem[tb])

        def wait_out(tb):
            for dt in range(4):
                pltpu.make_async_copy(tile[tb].at[pl.ds(dt * 8 * _G, 8 * _G)],
                                      out_hbm.at[0], osem[tb]).wait()

        fire_gather(0, 0)

        def body(i0):
            for b in range(2):
                i = i0 + b

                @pl.when(i + 1 < _BPW)
                def _():
                    fire_gather(i + 1, 1 - b)

                drain_gather(b)

                @pl.when(i >= 2)
                def _():
                    wait_out(b)

                transpose(b, b)
                fire_out(i, b)

        pl.loop(0, _BPW, step=2)(body)
        wait_out(0)
        wait_out(1)

    return gather_kernel


_gather = _make_gather()


def kernel(action, embedding):
    out5 = _gather(action.T, embedding)
    y = out5.reshape(HIST, 4, _TPH, 8, _G).transpose(2, 4, 0, 1, 3)
    return y.reshape(BATCH, HIST, EMBED_DIM)

# --- scband reference (transcript-rebuilt; emitter-appended) ---
"""Pipeline reference for scband-action-tokenizer-90228672955002 (READ-ONLY COPY).

The authoritative reference and input builder live on the scoring server;
editing this copy changes nothing except your own understanding.
"""

import jax, jax.numpy as jnp
import numpy as np

NUM_ACTIONS = 1000000
EMBED_DIM = 32
BATCH = 16384
HIST = 50

def setup_inputs(seed: int = 0) -> dict:
    key = jax.random.key(seed)
    k_idx, k_emb = jax.random.split(key)
    action = jax.random.randint(k_idx, (BATCH, HIST), 0, NUM_ACTIONS, dtype=jnp.int64 if jax.config.jax_enable_x64 else jnp.int32)
    # flax nn.Embed default init: variance_scaling(1.0, 'fan_in', 'normal', out_axis=0)
    # fan_in = num_embeddings for out_axis=0 -> stddev = 1/sqrt(num_embeddings)
    stddev = 1.0 / np.sqrt(NUM_ACTIONS)
    embedding = jax.random.normal(k_emb, (NUM_ACTIONS, EMBED_DIM), dtype=jnp.float32) * stddev
    return {"action": action, "embedding": embedding}

def reference(action, embedding):
    # ActionTokenizer.__call__: return self.embedding(action)
    # nn.Embed lookup == gather rows of the table
    return jnp.take(embedding, action, axis=0)

if __name__ == "__main__":
    import jax
    _d = setup_inputs()
    print(jax.jit(kernel)(*tuple(_d.values())))

</pallas_src>

<mosaic_0001>
#map = affine_map<(d0, d1) -> (0, 0)>
module attributes {stable_mosaic.version = 14 : i64} {
  func.func @gather_kernel(%arg0: i32, %arg1: i32, %arg2: memref<50x16384xi32, #tpu.memory_space<hbm>>, %arg3: memref<1000000x32xf32, #tpu.memory_space<hbm>>, %arg4: memref<25600x1024xf32, #tpu.memory_space<hbm>>, %arg5: memref<3x16384xi32, #tpu.memory_space<vmem>>, %arg6: memref<128x32xf32, #tpu.memory_space<vmem>>, %arg7: memref<128x32xf32, #tpu.memory_space<vmem>>, %arg8: memref<4096xf32, #tpu.memory_space<vmem>>, %arg9: memref<4096xf32, #tpu.memory_space<vmem>>, %arg10: memref<!tpu.dma_semaphore, #tpu.memory_space<semaphore_mem>>, %arg11: memref<!tpu.dma_semaphore, #tpu.memory_space<semaphore_mem>>, %arg12: memref<!tpu.dma_semaphore, #tpu.memory_space<semaphore_mem>>, %arg13: memref<!tpu.dma_semaphore, #tpu.memory_space<semaphore_mem>>) attributes {dimension_semantics = [#tpu.dimension_semantics<core_parallel>, #tpu.dimension_semantics<subcore_parallel>], iteration_bounds = array<i64: 2, 16>, scalar_prefetch = 0 : i64, scratch_operands = 9 : i64, tpu.core_type = #tpu.core_type<sc_vector_subcore>, window_params = [{transform_indices = #map}, {transform_indices = #map}, {transform_indices = #map}]} {
    %mul3A = arith.constant 2 : i32
    %mul3A_0 = arith.muli %arg1, %mul3A : i32
    %add3A = arith.addi %mul3A_0, %arg0 : i32
    %mul3A_1 = arith.constant 200 : i32
    %mul3A_2 = arith.muli %add3A, %mul3A_1 : i32
    %jit3A = arith.constant 128 : i32
    %div3A = arith.divsi %mul3A_2, %jit3A : i32
    %sign3A = arith.constant 0 : i32
    %sign3A_3 = arith.cmpi sgt, %mul3A_2, %sign3A : i32
    %sign3A_4 = arith.extui %sign3A_3 : i1 to i32
    %sign3A_5 = arith.constant 0 : i32
    %sign3A_6 = arith.cmpi slt, %mul3A_2, %sign3A_5 : i32
    %sign3A_7 = arith.extui %sign3A_6 : i1 to i32
    %sign3A_8 = arith.subi %sign3A_4, %sign3A_7 : i32
    %sign3A_9 = arith.constant 0 : i32
    %sign3A_10 = arith.cmpi sgt, %jit3A, %sign3A_9 : i32
    %sign3A_11 = arith.extui %sign3A_10 : i1 to i32
    %sign3A_12 = arith.constant 0 : i32
    %sign3A_13 = arith.cmpi slt, %jit3A, %sign3A_12 : i32
    %sign3A_14 = arith.extui %sign3A_13 : i1 to i32
    %sign3A_15 = arith.subi %sign3A_11, %sign3A_14 : i32
    %ne3A = arith.cmpi ne, %sign3A_8, %sign3A_15 : i32
    %rem3A = arith.remsi %mul3A_2, %jit3A : i32
    %ne3A_16 = arith.constant 0 : i32
    %ne3A_17 = arith.cmpi ne, %rem3A, %ne3A_16 : i32
    %and3A = arith.andi %ne3A, %ne3A_17 : i1
    %sub3A = arith.constant 1 : i32
    %sub3A_18 = arith.subi %div3A, %sub3A : i32
    %select_n3A = arith.select %and3A, %sub3A_18, %div3A : i32
    %min3A = arith.constant 47 : i32
    %min3A_19 = arith.minsi %select_n3A, %min3A : i32
    "tpu.region"() ({
      %run_scoped3A = tpu.sem_alloc : memref<!tpu.dma_semaphore, #tpu.memory_space<semaphore_mem>>
      %dma_start3A_170 = arith.constant 0 : i32
      %dma_start3A_171 = tpu.memref_slice %arg2[%min3A_19, %dma_start3A_170] : memref<50x16384xi32, #tpu.memory_space<hbm>> -> memref<3x16384xi32, #tpu.memory_space<hbm>>
      %dma_start3A_172 = arith.constant 0 : i32
      %dma_start3A_173 = tpu.memref_slice %arg2[%min3A_19, %dma_start3A_172] : memref<50x16384xi32, #tpu.memory_space<hbm>> -> memref<3x16384xi32, #tpu.memory_space<hbm>>
      tpu.enqueue_dma source(%dma_start3A_173 : memref<3x16384xi32, #tpu.memory_space<hbm>>) target(%arg5 : memref<3x16384xi32, #tpu.memory_space<vmem>>) target_semaphore(%run_scoped3A : memref<!tpu.dma_semaphore, #tpu.memory_space<semaphore_mem>>)
      %dma_wait3A_174 = arith.constant 0 : i32
      %dma_wait3A_175 = tpu.memref_slice %arg2[%min3A_19, %dma_wait3A_174] : memref<50x16384xi32, #tpu.memory_space<hbm>> -> memref<3x16384xi32, #tpu.memory_space<hbm>>
      %dma_wait3A_176 = arith.constant 0 : i32
      %dma_wait3A_177 = tpu.memref_slice %arg2[%min3A_19, %dma_wait3A_176] : memref<50x16384xi32, #tpu.memory_space<hbm>> -> memref<3x16384xi32, #tpu.memory_space<hbm>>
      tpu.wait_dma2 semaphore(%run_scoped3A : memref<!tpu.dma_semaphore, #tpu.memory_space<semaphore_mem>>) src(%dma_wait3A_177 : memref<3x16384xi32, #tpu.memory_space<hbm>>) dst(%arg5 : memref<3x16384xi32, #tpu.memory_space<vmem>>)
      tpu.yield
    }) : () -> ()
    %iota3A = tpu.iota {dimensions = array<i32: 0>} : vector<16xi32>
    %add3A_20 = arith.constant 0 : i32
    %add3A_21 = vector.broadcast %add3A_20 : i32 to vector<16xi32>
    %add3A_22 = arith.addi %iota3A, %add3A_21 : vector<16xi32>
    %mul3A_23 = arith.constant 128 : i32
    %mul3A_24 = vector.broadcast %mul3A_23 : i32 to vector<16xi32>
    %mul3A_25 = arith.muli %add3A_22, %mul3A_24 : vector<16xi32>
    %add3A_26 = arith.constant 16 : i32
    %add3A_27 = vector.broadcast %add3A_26 : i32 to vector<16xi32>
    %add3A_28 = arith.addi %iota3A, %add3A_27 : vector<16xi32>
    %mul3A_29 = arith.constant 128 : i32
    %mul3A_30 = vector.broadcast %mul3A_29 : i32 to vector<16xi32>
    %mul3A_31 = arith.muli %add3A_28, %mul3A_30 : vector<16xi32>
    %add3A_32 = arith.constant 0 : i32
    %add3A_33 = arith.addi %mul3A_2, %add3A_32 : i32
    %jit3A_34 = arith.constant 128 : i32
    %div3A_35 = arith.divsi %add3A_33, %jit3A_34 : i32
    %sign3A_36 = arith.constant 0 : i32
    %sign3A_37 = arith.cmpi sgt, %add3A_33, %sign3A_36 : i32
    %sign3A_38 = arith.extui %sign3A_37 : i1 to i32
    %sign3A_39 = arith.constant 0 : i32
    %sign3A_40 = arith.cmpi slt, %add3A_33, %sign3A_39 : i32
    %sign3A_41 = arith.extui %sign3A_40 : i1 to i32
    %sign3A_42 = arith.subi %sign3A_38, %sign3A_41 : i32
    %sign3A_43 = arith.constant 0 : i32
    %sign3A_44 = arith.cmpi sgt, %jit3A_34, %sign3A_43 : i32
    %sign3A_45 = arith.extui %sign3A_44 : i1 to i32
    %sign3A_46 = arith.constant 0 : i32
    %sign3A_47 = arith.cmpi slt, %jit3A_34, %sign3A_46 : i32
    %sign3A_48 = arith.extui %sign3A_47 : i1 to i32
    %sign3A_49 = arith.subi %sign3A_45, %sign3A_48 : i32
    %ne3A_50 = arith.cmpi ne, %sign3A_42, %sign3A_49 : i32
    %rem3A_51 = arith.remsi %add3A_33, %jit3A_34 : i32
    %ne3A_52 = arith.constant 0 : i32
    %ne3A_53 = arith.cmpi ne, %rem3A_51, %ne3A_52 : i32
    %and3A_54 = arith.andi %ne3A_50, %ne3A_53 : i1
    %sub3A_55 = arith.constant 1 : i32
    %sub3A_56 = arith.subi %div3A_35, %sub3A_55 : i32
    %select_n3A_57 = arith.select %and3A_54, %sub3A_56, %div3A_35 : i32
    %sub3A_58 = arith.subi %select_n3A_57, %min3A_19 : i32
    %jit3A_59 = arith.constant 128 : i32
    %eq3A = arith.constant 0 : i32
    %eq3A_60 = arith.cmpi eq, %jit3A_59, %eq3A : i32
    %jit3A_61 = arith.constant 1 : i32
    %select_n3A_62 = arith.select %eq3A_60, %jit3A_61, %jit3A_59 : i32
    %rem3A_63 = arith.remsi %add3A_33, %select_n3A_62 : i32
    %ne3A_64 = arith.constant 0 : i32
    %ne3A_65 = arith.cmpi ne, %rem3A_63, %ne3A_64 : i32
    %lt3A = arith.constant 0 : i32
    %lt3A_66 = arith.cmpi slt, %rem3A_63, %lt3A : i32
    %lt3A_67 = arith.constant 0 : i32
    %lt3A_68 = arith.cmpi slt, %select_n3A_62, %lt3A_67 : i32
    %ne3A_69 = arith.xori %lt3A_66, %lt3A_68 : i1
    %and3A_70 = arith.andi %ne3A_69, %ne3A_65 : i1
    %add3A_71 = arith.addi %rem3A_63, %select_n3A_62 : i32
    %select_n3A_72 = arith.select %and3A_70, %add3A_71, %rem3A_63 : i32
    %mul3A_73 = arith.constant 128 : i32
    %mul3A_74 = arith.muli %select_n3A_72, %mul3A_73 : i32
    %dma_start3A = tpu.memref_slice %arg5[%sub3A_58, %mul3A_74] : memref<3x16384xi32, #tpu.memory_space<vmem>> -> memref<1x128xi32, #tpu.memory_space<vmem>>
    %dma_start3A_75 = tpu.memref_squeeze %dma_start3A : memref<1x128xi32, #tpu.memory_space<vmem>> -> memref<128xi32, #tpu.memory_space<vmem>>
    %dma_start3A_76 = arith.constant 0 : i32
    %dma_start3A_77 = arith.constant 0 : i32
    %dma_start3A_78 = tpu.memref_slice %arg3[%dma_start3A_76, %dma_start3A_77] : memref<1000000x32xf32, #tpu.memory_space<hbm>> -> memref<1000000x32xf32, #tpu.memory_space<hbm>>
    tpu.enqueue_indirect_dma source(%dma_start3A_78 : memref<1000000x32xf32, #tpu.memory_space<hbm>>) target(%arg6 : memref<128x32xf32, #tpu.memory_space<vmem>>) offsets(%dma_start3A_75 : memref<128xi32, #tpu.memory_space<vmem>>) semaphore(%arg10 : memref<!tpu.dma_semaphore, #tpu.memory_space<semaphore_mem>>)
    %scan3A = arith.constant 0 : i32
    %scan3A_79 = arith.constant 100 : i32
    %scan3A_80 = arith.addi %scan3A, %scan3A_79 : i32
    %scan3A_81 = arith.constant 1 : i32
    scf.for %scan3A_170 = %scan3A to %scan3A_80 step %scan3A_81  : i32 {
      %mul3A_171 = arith.constant 2 : i32
      %mul3A_172 = arith.muli %scan3A_170, %mul3A_171 : i32
      %add3A_173 = arith.constant 0 : i32
      %add3A_174 = arith.addi %add3A_173, %mul3A_172 : i32
      %add3A_175 = arith.constant 0 : i32
      %add3A_176 = arith.addi %add3A_174, %add3A_175 : i32
      %add3A_177 = arith.constant 1 : i32
      %add3A_178 = arith.addi %add3A_176, %add3A_177 : i32
      %lt3A_179 = arith.constant 200 : i32
      %lt3A_180 = arith.cmpi slt, %add3A_178, %lt3A_179 : i32
      %convert_element_type3A = arith.extui %lt3A_180 : i1 to i32
      %cond3A = arith.constant 0 : i32
      %cond3A_181 = arith.cmpi ne, %convert_element_type3A, %cond3A : i32
      scf.if %cond3A_181 {
        %add3A_401 = arith.constant 1 : i32
        %add3A_402 = arith.addi %add3A_176, %add3A_401 : i32
        %add3A_403 = arith.addi %mul3A_2, %add3A_402 : i32
        %jit3A_404 = arith.constant 128 : i32
        %div3A_405 = arith.divsi %add3A_403, %jit3A_404 : i32
        %sign3A_406 = arith.constant 0 : i32
        %sign3A_407 = arith.cmpi sgt, %add3A_403, %sign3A_406 : i32
        %sign3A_408 = arith.extui %sign3A_407 : i1 to i32
        %sign3A_409 = arith.constant 0 : i32
        %sign3A_410 = arith.cmpi slt, %add3A_403, %sign3A_409 : i32
        %sign3A_411 = arith.extui %sign3A_410 : i1 to i32
        %sign3A_412 = arith.subi %sign3A_408, %sign3A_411 : i32
        %sign3A_413 = arith.constant 0 : i32
        %sign3A_414 = arith.cmpi sgt, %jit3A_404, %sign3A_413 : i32
        %sign3A_415 = arith.extui %sign3A_414 : i1 to i32
        %sign3A_416 = arith.constant 0 : i32
        %sign3A_417 = arith.cmpi slt, %jit3A_404, %sign3A_416 : i32
        %sign3A_418 = arith.extui %sign3A_417 : i1 to i32
        %sign3A_419 = arith.subi %sign3A_415, %sign3A_418 : i32
        %ne3A_420 = arith.cmpi ne, %sign3A_412, %sign3A_419 : i32
        %rem3A_421 = arith.remsi %add3A_403, %jit3A_404 : i32
        %ne3A_422 = arith.constant 0 : i32
        %ne3A_423 = arith.cmpi ne, %rem3A_421, %ne3A_422 : i32
        %and3A_424 = arith.andi %ne3A_420, %ne3A_423 : i1
        %sub3A_425 = arith.constant 1 : i32
        %sub3A_426 = arith.subi %div3A_405, %sub3A_425 : i32
        %select_n3A_427 = arith.select %and3A_424, %sub3A_426, %div3A_405 : i32
        %sub3A_428 = arith.subi %select_n3A_427, %min3A_19 : i32
        %jit3A_429 = arith.constant 128 : i32
        %eq3A_430 = arith.constant 0 : i32
        %eq3A_431 = arith.cmpi eq, %jit3A_429, %eq3A_430 : i32
        %jit3A_432 = arith.constant 1 : i32
        %select_n3A_433 = arith.select %eq3A_431, %jit3A_432, %jit3A_429 : i32
        %rem3A_434 = arith.remsi %add3A_403, %select_n3A_433 : i32
        %ne3A_435 = arith.constant 0 : i32
        %ne3A_436 = arith.cmpi ne, %rem3A_434, %ne3A_435 : i32
        %lt3A_437 = arith.constant 0 : i32
        %lt3A_438 = arith.cmpi slt, %rem3A_434, %lt3A_437 : i32
        %lt3A_439 = arith.constant 0 : i32
        %lt3A_440 = arith.cmpi slt, %select_n3A_433, %lt3A_439 : i32
        %ne3A_441 = arith.xori %lt3A_438, %lt3A_440 : i1
        %and3A_442 = arith.andi %ne3A_441, %ne3A_436 : i1
        %add3A_443 = arith.addi %rem3A_434, %select_n3A_433 : i32
        %select_n3A_444 = arith.select %and3A_442, %add3A_443, %rem3A_434 : i32
        %mul3A_445 = arith.constant 128 : i32
        %mul3A_446 = arith.muli %select_n3A_444, %mul3A_445 : i32
        %dma_start3A_447 = tpu.memref_slice %arg5[%sub3A_428, %mul3A_446] : memref<3x16384xi32, #tpu.memory_space<vmem>> -> memref<1x128xi32, #tpu.memory_space<vmem>>
        %dma_start3A_448 = tpu.memref_squeeze %dma_start3A_447 : memref<1x128xi32, #tpu.memory_space<vmem>> -> memref<128xi32, #tpu.memory_space<vmem>>
        %dma_start3A_449 = arith.constant 0 : i32
        %dma_start3A_450 = arith.constant 0 : i32
        %dma_start3A_451 = tpu.memref_slice %arg3[%dma_start3A_449, %dma_start3A_450] : memref<1000000x32xf32, #tpu.memory_space<hbm>> -> memref<1000000x32xf32, #tpu.memory_space<hbm>>
        tpu.enqueue_indirect_dma source(%dma_start3A_451 : memref<1000000x32xf32, #tpu.memory_space<hbm>>) target(%arg7 : memref<128x32xf32, #tpu.memory_space<vmem>>) offsets(%dma_start3A_448 : memref<128xi32, #tpu.memory_space<vmem>>) semaphore(%arg11 : memref<!tpu.dma_semaphore, #tpu.memory_space<semaphore_mem>>)
      } else {
      }
      %dma_wait3A_182 = arith.constant 0 : i32
      %dma_wait3A_183 = arith.constant 0 : i32
      %dma_wait3A_184 = tpu.memref_slice %arg3[%dma_wait3A_182, %dma_wait3A_183] : memref<1000000x32xf32, #tpu.memory_space<hbm>> -> memref<128x32xf32, #tpu.memory_space<hbm>>
      %dma_wait3A_185 = arith.constant 0 : i32
      %dma_wait3A_186 = arith.constant 0 : i32
      %dma_wait3A_187 = tpu.memref_slice %arg3[%dma_wait3A_185, %dma_wait3A_186] : memref<1000000x32xf32, #tpu.memory_space<hbm>> -> memref<128x32xf32, #tpu.memory_space<hbm>>
      tpu.wait_dma2 semaphore(%arg10 : memref<!tpu.dma_semaphore, #tpu.memory_space<semaphore_mem>>) src(%dma_wait3A_187 : memref<128x32xf32, #tpu.memory_space<hbm>>) dst(%arg6 : memref<128x32xf32, #tpu.memory_space<vmem>>)
      %ge3A = arith.constant 2 : i32
      %ge3A_188 = arith.cmpi sge, %add3A_176, %ge3A : i32
      %convert_element_type3A_189 = arith.extui %ge3A_188 : i1 to i32
      %cond3A_190 = arith.constant 0 : i32
      %cond3A_191 = arith.cmpi ne, %convert_element_type3A_189, %cond3A_190 : i32
      scf.if %cond3A_191 {
        %dma_wait3A_401 = arith.constant 0 : i32
        %dma_wait3A_402 = arith.constant 0 : i32
        %dma_wait3A_403 = tpu.memref_slice %arg8[%dma_wait3A_402] : memref<4096xf32, #tpu.memory_space<vmem>> -> memref<1024xf32, #tpu.memory_space<vmem>>
        %dma_wait3A_404 = arith.constant 0 : i32
        %dma_wait3A_405 = tpu.memref_slice %arg4[%dma_wait3A_401, %dma_wait3A_404] : memref<25600x1024xf32, #tpu.memory_space<hbm>> -> memref<1x1024xf32, #tpu.memory_space<hbm>>
        %dma_wait3A_406 = tpu.memref_squeeze %dma_wait3A_405 : memref<1x1024xf32, #tpu.memory_space<hbm>> -> memref<1024xf32, #tpu.memory_space<hbm>>
        %dma_wait3A_407 = arith.constant 0 : i32
        %dma_wait3A_408 = tpu.memref_slice %arg4[%dma_wait3A_401, %dma_wait3A_407] : memref<25600x1024xf32, #tpu.memory_space<hbm>> -> memref<1x1024xf32, #tpu.memory_space<hbm>>
        %dma_wait3A_409 = tpu.memref_squeeze %dma_wait3A_408 : memref<1x1024xf32, #tpu.memory_space<hbm>> -> memref<1024xf32, #tpu.memory_space<hbm>>
        %dma_wait3A_410 = arith.constant 0 : i32
        %dma_wait3A_411 = tpu.memref_slice %arg8[%dma_wait3A_410] : memref<4096xf32, #tpu.memory_space<vmem>> -> memref<1024xf32, #tpu.memory_space<vmem>>
        tpu.wait_dma2 semaphore(%arg12 : memref<!tpu.dma_semaphore, #tpu.memory_space<semaphore_mem>>) src(%dma_wait3A_411 : memref<1024xf32, #tpu.memory_space<vmem>>) dst(%dma_wait3A_409 : memref<1024xf32, #tpu.memory_space<hbm>>)
        %dma_wait3A_412 = arith.constant 0 : i32
        %dma_wait3A_413 = arith.constant 1024 : i32
        %dma_wait3A_414 = tpu.memref_slice %arg8[%dma_wait3A_413] : memref<4096xf32, #tpu.memory_space<vmem>> -> memref<1024xf32, #tpu.memory_space<vmem>>
        %dma_wait3A_415 = arith.constant 0 : i32
        %dma_wait3A_416 = tpu.memref_slice %arg4[%dma_wait3A_412, %dma_wait3A_415] : memref<25600x1024xf32, #tpu.memory_space<hbm>> -> memref<1x1024xf32, #tpu.memory_space<hbm>>
        %dma_wait3A_417 = tpu.memref_squeeze %dma_wait3A_416 : memref<1x1024xf32, #tpu.memory_space<hbm>> -> memref<1024xf32, #tpu.memory_space<hbm>>
        %dma_wait3A_418 = arith.constant 0 : i32
        %dma_wait3A_419 = tpu.memref_slice %arg4[%dma_wait3A_412, %dma_wait3A_418] : memref<25600x1024xf32, #tpu.memory_space<hbm>> -> memref<1x1024xf32, #tpu.memory_space<hbm>>
        %dma_wait3A_420 = tpu.memref_squeeze %dma_wait3A_419 : memref<1x1024xf32, #tpu.memory_space<hbm>> -> memref<1024xf32, #tpu.memory_space<hbm>>
        %dma_wait3A_421 = arith.constant 1024 : i32
        %dma_wait3A_422 = tpu.memref_slice %arg8[%dma_wait3A_421] : memref<4096xf32, #tpu.memory_space<vmem>> -> memref<1024xf32, #tpu.memory_space<vmem>>
        tpu.wait_dma2 semaphore(%arg12 : memref<!tpu.dma_semaphore, #tpu.memory_space<semaphore_mem>>) src(%dma_wait3A_422 : memref<1024xf32, #tpu.memory_space<vmem>>) dst(%dma_wait3A_420 : memref<1024xf32, #tpu.memory_space<hbm>>)
        %dma_wait3A_423 = arith.constant 0 : i32
        %dma_wait3A_424 = arith.constant 2048 : i32
        %dma_wait3A_425 = tpu.memref_slice %arg8[%dma_wait3A_424] : memref<4096xf32, #tpu.memory_space<vmem>> -> memref<1024xf32, #tpu.memory_space<vmem>>
        %dma_wait3A_426 = arith.constant 0 : i32
        %dma_wait3A_427 = tpu.memref_slice %arg4[%dma_wait3A_423, %dma_wait3A_426] : memref<25600x1024xf32, #tpu.memory_space<hbm>> -> memref<1x1024xf32, #tpu.memory_space<hbm>>
        %dma_wait3A_428 = tpu.memref_squeeze %dma_wait3A_427 : memref<1x1024xf32, #tpu.memory_space<hbm>> -> memref<1024xf32, #tpu.memory_space<hbm>>
        %dma_wait3A_429 = arith.constant 0 : i32
        %dma_wait3A_430 = tpu.memref_slice %arg4[%dma_wait3A_423, %dma_wait3A_429] : memref<25600x1024xf32, #tpu.memory_space<hbm>> -> memref<1x1024xf32, #tpu.memory_space<hbm>>
        %dma_wait3A_431 = tpu.memref_squeeze %dma_wait3A_430 : memref<1x1024xf32, #tpu.memory_space<hbm>> -> memref<1024xf32, #tpu.memory_space<hbm>>
        %dma_wait3A_432 = arith.constant 2048 : i32
        %dma_wait3A_433 = tpu.memref_slice %arg8[%dma_wait3A_432] : memref<4096xf32, #tpu.memory_space<vmem>> -> memref<1024xf32, #tpu.memory_space<vmem>>
        tpu.wait_dma2 semaphore(%arg12 : memref<!tpu.dma_semaphore, #tpu.memory_space<semaphore_mem>>) src(%dma_wait3A_433 : memref<1024xf32, #tpu.memory_space<vmem>>) dst(%dma_wait3A_431 : memref<1024xf32, #tpu.memory_space<hbm>>)
        %dma_wait3A_434 = arith.constant 0 : i32
        %dma_wait3A_435 = arith.constant 3072 : i32
        %dma_wait3A_436 = tpu.memref_slice %arg8[%dma_wait3A_435] : memref<4096xf32, #tpu.memory_space<vmem>> -> memref<1024xf32, #tpu.memory_space<vmem>>
        %dma_wait3A_437 = arith.constant 0 : i32
        %dma_wait3A_438 = tpu.memref_slice %arg4[%dma_wait3A_434, %dma_wait3A_437] : memref<25600x1024xf32, #tpu.memory_space<hbm>> -> memref<1x1024xf32, #tpu.memory_space<hbm>>
        %dma_wait3A_439 = tpu.memref_squeeze %dma_wait3A_438 : memref<1x1024xf32, #tpu.memory_space<hbm>> -> memref<1024xf32, #tpu.memory_space<hbm>>
        %dma_wait3A_440 = arith.constant 0 : i32
        %dma_wait3A_441 = tpu.memref_slice %arg4[%dma_wait3A_434, %dma_wait3A_440] : memref<25600x1024xf32, #tpu.memory_space<hbm>> -> memref<1x1024xf32, #tpu.memory_space<hbm>>
        %dma_wait3A_442 = tpu.memref_squeeze %dma_wait3A_441 : memref<1x1024xf32, #tpu.memory_space<hbm>> -> memref<1024xf32, #tpu.memory_space<hbm>>
        %dma_wait3A_443 = arith.constant 3072 : i32
        %dma_wait3A_444 = tpu.memref_slice %arg8[%dma_wait3A_443] : memref<4096xf32, #tpu.memory_space<vmem>> -> memref<1024xf32, #tpu.memory_space<vmem>>
        tpu.wait_dma2 semaphore(%arg12 : memref<!tpu.dma_semaphore, #tpu.memory_space<semaphore_mem>>) src(%dma_wait3A_444 : memref<1024xf32, #tpu.memory_space<vmem>>) dst(%dma_wait3A_442 : memref<1024xf32, #tpu.memory_space<hbm>>)
      } else {
      }
      %parallel_loop3A = arith.constant 0 : i32
      %parallel_loop3A_192 = arith.constant 128 : i32
      %parallel_loop3A_193 = arith.constant 1 : i32
      scf.for %parallel_loop3A_401 = %parallel_loop3A to %parallel_loop3A_192 step %parallel_loop3A_193  : i32 {
        %parallel_loop3A_402 = arith.index_cast %parallel_loop3A_401 : i32 to index
        %parallel_loop3A_403 = arith.constant 0 : index
        %parallel_loop3A_404 = tpu.vector_load %arg6[%parallel_loop3A_402, %parallel_loop3A_403] {strides = array<i32>} : memref<128x32xf32, #tpu.memory_space<vmem>>, vector<16xf32>,
        %parallel_loop3A_405 = vector.broadcast %parallel_loop3A_401 : i32 to vector<16xi32>
        %parallel_loop3A_406 = arith.addi %mul3A_25, %parallel_loop3A_405 : vector<16xi32>
        tpu.vector_store_idx %arg8[%parallel_loop3A_406], %parallel_loop3A_404 : memref<4096xf32, #tpu.memory_space<vmem>>[vector<16xi32>], vector<16xf32>,
        %parallel_loop3A_407 = arith.index_cast %parallel_loop3A_401 : i32 to index
        %parallel_loop3A_408 = arith.constant 16 : index
        %parallel_loop3A_409 = tpu.vector_load %arg6[%parallel_loop3A_407, %parallel_loop3A_408] {strides = array<i32>} : memref<128x32xf32, #tpu.memory_space<vmem>>, vector<16xf32>,
        %parallel_loop3A_410 = vector.broadcast %parallel_loop3A_401 : i32 to vector<16xi32>
        %parallel_loop3A_411 = arith.addi %mul3A_31, %parallel_loop3A_410 : vector<16xi32>
        tpu.vector_store_idx %arg8[%parallel_loop3A_411], %parallel_loop3A_409 : memref<4096xf32, #tpu.memory_space<vmem>>[vector<16xi32>], vector<16xf32>,
      } {sc.loop_unroll_factor = 16 : i64, sc.parallel_access}
      %add3A_194 = arith.addi %mul3A_2, %add3A_176 : i32
      %jit3A_195 = arith.constant 128 : i32
      %div3A_196 = arith.divsi %add3A_194, %jit3A_195 : i32
      %sign3A_197 = arith.constant 0 : i32
      %sign3A_198 = arith.cmpi sgt, %add3A_194, %sign3A_197 : i32
      %sign3A_199 = arith.extui %sign3A_198 : i1 to i32
      %sign3A_200 = arith.constant 0 : i32
      %sign3A_201 = arith.cmpi slt, %add3A_194, %sign3A_200 : i32
      %sign3A_202 = arith.extui %sign3A_201 : i1 to i32
      %sign3A_203 = arith.subi %sign3A_199, %sign3A_202 : i32
      %sign3A_204 = arith.constant 0 : i32
      %sign3A_205 = arith.cmpi sgt, %jit3A_195, %sign3A_204 : i32
      %sign3A_206 = arith.extui %sign3A_205 : i1 to i32
      %sign3A_207 = arith.constant 0 : i32
      %sign3A_208 = arith.cmpi slt, %jit3A_195, %sign3A_207 : i32
      %sign3A_209 = arith.extui %sign3A_208 : i1 to i32
      %sign3A_210 = arith.subi %sign3A_206, %sign3A_209 : i32
      %ne3A_211 = arith.cmpi ne, %sign3A_203, %sign3A_210 : i32
      %rem3A_212 = arith.remsi %add3A_194, %jit3A_195 : i32
      %ne3A_213 = arith.constant 0 : i32
      %ne3A_214 = arith.cmpi ne, %rem3A_212, %ne3A_213 : i32
      %and3A_215 = arith.andi %ne3A_211, %ne3A_214 : i1
      %sub3A_216 = arith.constant 1 : i32
      %sub3A_217 = arith.subi %div3A_196, %sub3A_216 : i32
      %select_n3A_218 = arith.select %and3A_215, %sub3A_217, %div3A_196 : i32
      %mul3A_219 = arith.constant 512 : i32
      %mul3A_220 = arith.muli %select_n3A_218, %mul3A_219 : i32
      %jit3A_221 = arith.constant 128 : i32
      %eq3A_222 = arith.constant 0 : i32
      %eq3A_223 = arith.cmpi eq, %jit3A_221, %eq3A_222 : i32
      %jit3A_224 = arith.constant 1 : i32
      %select_n3A_225 = arith.select %eq3A_223, %jit3A_224, %jit3A_221 : i32
      %rem3A_226 = arith.remsi %add3A_194, %select_n3A_225 : i32
      %ne3A_227 = arith.constant 0 : i32
      %ne3A_228 = arith.cmpi ne, %rem3A_226, %ne3A_227 : i32
      %lt3A_229 = arith.constant 0 : i32
      %lt3A_230 = arith.cmpi slt, %rem3A_226, %lt3A_229 : i32
      %lt3A_231 = arith.constant 0 : i32
      %lt3A_232 = arith.cmpi slt, %select_n3A_225, %lt3A_231 : i32
      %ne3A_233 = arith.xori %lt3A_230, %lt3A_232 : i1
      %and3A_234 = arith.andi %ne3A_233, %ne3A_228 : i1
      %add3A_235 = arith.addi %rem3A_226, %select_n3A_225 : i32
      %select_n3A_236 = arith.select %and3A_234, %add3A_235, %rem3A_226 : i32
      %add3A_237 = arith.addi %mul3A_220, %select_n3A_236 : i32
      %add3A_238 = arith.constant 0 : i32
      %add3A_239 = arith.addi %add3A_237, %add3A_238 : i32
      %dma_start3A_240 = arith.constant 0 : i32
      %dma_start3A_241 = tpu.memref_slice %arg8[%dma_start3A_240] : memref<4096xf32, #tpu.memory_space<vmem>> -> memref<1024xf32, #tpu.memory_space<vmem>>
      %dma_start3A_242 = arith.constant 0 : i32
      %dma_start3A_243 = tpu.memref_slice %arg4[%add3A_239, %dma_start3A_242] : memref<25600x1024xf32, #tpu.memory_space<hbm>> -> memref<1x1024xf32, #tpu.memory_space<hbm>>
      %dma_start3A_244 = tpu.memref_squeeze %dma_start3A_243 : memref<1x1024xf32, #tpu.memory_space<hbm>> -> memref<1024xf32, #tpu.memory_space<hbm>>
      %dma_start3A_245 = arith.constant 0 : i32
      %dma_start3A_246 = tpu.memref_slice %arg4[%add3A_239, %dma_start3A_245] : memref<25600x1024xf32, #tpu.memory_space<hbm>> -> memref<1x1024xf32, #tpu.memory_space<hbm>>
      %dma_start3A_247 = tpu.memref_squeeze %dma_start3A_246 : memref<1x1024xf32, #tpu.memory_space<hbm>> -> memref<1024xf32, #tpu.memory_space<hbm>>
      %dma_start3A_248 = arith.constant 0 : i32
      %dma_start3A_249 = tpu.memref_slice %arg8[%dma_start3A_248] : memref<4096xf32, #tpu.memory_space<vmem>> -> memref<1024xf32, #tpu.memory_space<vmem>>
      tpu.enqueue_dma source(%dma_start3A_249 : memref<1024xf32, #tpu.memory_space<vmem>>) target(%dma_start3A_247 : memref<1024xf32, #tpu.memory_space<hbm>>) target_semaphore(%arg12 : memref<!tpu.dma_semaphore, #tpu.memory_space<semaphore_mem>>)
      %add3A_250 = arith.constant 128 : i32
      %add3A_251 = arith.addi %add3A_237, %add3A_250 : i32
      %dma_start3A_252 = arith.constant 1024 : i32
      %dma_start3A_253 = tpu.memref_slice %arg8[%dma_start3A_252] : memref<4096xf32, #tpu.memory_space<vmem>> -> memref<1024xf32, #tpu.memory_space<vmem>>
      %dma_start3A_254 = arith.constant 0 : i32
      %dma_start3A_255 = tpu.memref_slice %arg4[%add3A_251, %dma_start3A_254] : memref<25600x1024xf32, #tpu.memory_space<hbm>> -> memref<1x1024xf32, #tpu.memory_space<hbm>>
      %dma_start3A_256 = tpu.memref_squeeze %dma_start3A_255 : memref<1x1024xf32, #tpu.memory_space<hbm>> -> memref<1024xf32, #tpu.memory_space<hbm>>
      %dma_start3A_257 = arith.constant 0 : i32
      %dma_start3A_258 = tpu.memref_slice %arg4[%add3A_251, %dma_start3A_257] : memref<25600x1024xf32, #tpu.memory_space<hbm>> -> memref<1x1024xf32, #tpu.memory_space<hbm>>
      %dma_start3A_259 = tpu.memref_squeeze %dma_start3A_258 : memref<1x1024xf32, #tpu.memory_space<hbm>> -> memref<1024xf32, #tpu.memory_space<hbm>>
      %dma_start3A_260 = arith.constant 1024 : i32
      %dma_start3A_261 = tpu.memref_slice %arg8[%dma_start3A_260] : memref<4096xf32, #tpu.memory_space<vmem>> -> memref<1024xf32, #tpu.memory_space<vmem>>
      tpu.enqueue_dma source(%dma_start3A_261 : memref<1024xf32, #tpu.memory_space<vmem>>) target(%dma_start3A_259 : memref<1024xf32, #tpu.memory_space<hbm>>) target_semaphore(%arg12 : memref<!tpu.dma_semaphore, #tpu.memory_space<semaphore_mem>>)
      %add3A_262 = arith.constant 256 : i32
      %add3A_263 = arith.addi %add3A_237, %add3A_262 : i32
      %dma_start3A_264 = arith.constant 2048 : i32
      %dma_start3A_265 = tpu.memref_slice %arg8[%dma_start3A_264] : memref<4096xf32, #tpu.memory_space<vmem>> -> memref<1024xf32, #tpu.memory_space<vmem>>
      %dma_start3A_266 = arith.constant 0 : i32
      %dma_start3A_267 = tpu.memref_slice %arg4[%add3A_263, %dma_start3A_266] : memref<25600x1024xf32, #tpu.memory_space<hbm>> -> memref<1x1024xf32, #tpu.memory_space<hbm>>
      %dma_start3A_268 = tpu.memref_squeeze %dma_start3A_267 : memref<1x1024xf32, #tpu.memory_space<hbm>> -> memref<1024xf32, #tpu.memory_space<hbm>>
      %dma_start3A_269 = arith.constant 0 : i32
      %dma_start3A_270 = tpu.memref_slice %arg4[%add3A_263, %dma_start3A_269] : memref<25600x1024xf32, #tpu.memory_space<hbm>> -> memref<1x1024xf32, #tpu.memory_space<hbm>>
      %dma_start3A_271 = tpu.memref_squeeze %dma_start3A_270 : memref<1x1024xf32, #tpu.memory_space<hbm>> -> memref<1024xf32, #tpu.memory_space<hbm>>
      %dma_start3A_272 = arith.constant 2048 : i32
      %dma_start3A_273 = tpu.memref_slice %arg8[%dma_start3A_272] : memref<4096xf32, #tpu.memory_space<vmem>> -> memref<1024xf32, #tpu.memory_space<vmem>>
      tpu.enqueue_dma source(%dma_start3A_273 : memref<1024xf32, #tpu.memory_space<vmem>>) target(%dma_start3A_271 : memref<1024xf32, #tpu.memory_space<hbm>>) target_semaphore(%arg12 : memref<!tpu.dma_semaphore, #tpu.memory_space<semaphore_mem>>)
      %add3A_274 = arith.constant 384 : i32
      %add3A_275 = arith.addi %add3A_237, %add3A_274 : i32
      %dma_start3A_276 = arith.constant 3072 : i32
      %dma_start3A_277 = tpu.memref_slice %arg8[%dma_start3A_276] : memref<4096xf32, #tpu.memory_space<vmem>> -> memref<1024xf32, #tpu.memory_space<vmem>>
      %dma_start3A_278 = arith.constant 0 : i32
      %dma_start3A_279 = tpu.memref_slice %arg4[%add3A_275, %dma_start3A_278] : memref<25600x1024xf32, #tpu.memory_space<hbm>> -> memref<1x1024xf32, #tpu.memory_space<hbm>>
      %dma_start3A_280 = tpu.memref_squeeze %dma_start3A_279 : memref<1x1024xf32, #tpu.memory_space<hbm>> -> memref<1024xf32, #tpu.memory_space<hbm>>
      %dma_start3A_281 = arith.constant 0 : i32
      %dma_start3A_282 = tpu.memref_slice %arg4[%add3A_275, %dma_start3A_281] : memref<25600x1024xf32, #tpu.memory_space<hbm>> -> memref<1x1024xf32, #tpu.memory_space<hbm>>
      %dma_start3A_283 = tpu.memref_squeeze %dma_start3A_282 : memref<1x1024xf32, #tpu.memory_space<hbm>> -> memref<1024xf32, #tpu.memory_space<hbm>>
      %dma_start3A_284 = arith.constant 3072 : i32
      %dma_start3A_285 = tpu.memref_slice %arg8[%dma_start3A_284] : memref<4096xf32, #tpu.memory_space<vmem>> -> memref<1024xf32, #tpu.memory_space<vmem>>
      tpu.enqueue_dma source(%dma_start3A_285 : memref<1024xf32, #tpu.memory_space<vmem>>) target(%dma_start3A_283 : memref<1024xf32, #tpu.memory_space<hbm>>) target_semaphore(%arg12 : memref<!tpu.dma_semaphore, #tpu.memory_space<semaphore_mem>>)
      %add3A_286 = arith.constant 1 : i32
      %add3A_287 = arith.addi %add3A_174, %add3A_286 : i32
      %add3A_288 = arith.constant 1 : i32
      %add3A_289 = arith.addi %add3A_287, %add3A_288 : i32
      %lt3A_290 = arith.constant 200 : i32
      %lt3A_291 = arith.cmpi slt, %add3A_289, %lt3A_290 : i32
      %convert_element_type3A_292 = arith.extui %lt3A_291 : i1 to i32
      %cond3A_293 = arith.constant 0 : i32
      %cond3A_294 = arith.cmpi ne, %convert_element_type3A_292, %cond3A_293 : i32
      scf.if %cond3A_294 {
        %add3A_401 = arith.constant 1 : i32
        %add3A_402 = arith.addi %add3A_287, %add3A_401 : i32
        %add3A_403 = arith.addi %mul3A_2, %add3A_402 : i32
        %jit3A_404 = arith.constant 128 : i32
        %div3A_405 = arith.divsi %add3A_403, %jit3A_404 : i32
        %sign3A_406 = arith.constant 0 : i32
        %sign3A_407 = arith.cmpi sgt, %add3A_403, %sign3A_406 : i32
        %sign3A_408 = arith.extui %sign3A_407 : i1 to i32
        %sign3A_409 = arith.constant 0 : i32
        %sign3A_410 = arith.cmpi slt, %add3A_403, %sign3A_409 : i32
        %sign3A_411 = arith.extui %sign3A_410 : i1 to i32
        %sign3A_412 = arith.subi %sign3A_408, %sign3A_411 : i32
        %sign3A_413 = arith.constant 0 : i32
        %sign3A_414 = arith.cmpi sgt, %jit3A_404, %sign3A_413 : i32
        %sign3A_415 = arith.extui %sign3A_414 : i1 to i32
        %sign3A_416 = arith.constant 0 : i32
        %sign3A_417 = arith.cmpi slt, %jit3A_404, %sign3A_416 : i32
        %sign3A_418 = arith.extui %sign3A_417 : i1 to i32
        %sign3A_419 = arith.subi %sign3A_415, %sign3A_418 : i32
        %ne3A_420 = arith.cmpi ne, %sign3A_412, %sign3A_419 : i32
        %rem3A_421 = arith.remsi %add3A_403, %jit3A_404 : i32
        %ne3A_422 = arith.constant 0 : i32
        %ne3A_423 = arith.cmpi ne, %rem3A_421, %ne3A_422 : i32
        %and3A_424 = arith.andi %ne3A_420, %ne3A_423 : i1
        %sub3A_425 = arith.constant 1 : i32
        %sub3A_426 = arith.subi %div3A_405, %sub3A_425 : i32
        %select_n3A_427 = arith.select %and3A_424, %sub3A_426, %div3A_405 : i32
        %sub3A_428 = arith.subi %select_n3A_427, %min3A_19 : i32
        %jit3A_429 = arith.constant 128 : i32
        %eq3A_430 = arith.constant 0 : i32
        %eq3A_431 = arith.cmpi eq, %jit3A_429, %eq3A_430 : i32
        %jit3A_432 = arith.constant 1 : i32
        %select_n3A_433 = arith.select %eq3A_431, %jit3A_432, %jit3A_429 : i32
        %rem3A_434 = arith.remsi %add3A_403, %select_n3A_433 : i32
        %ne3A_435 = arith.constant 0 : i32
        %ne3A_436 = arith.cmpi ne, %rem3A_434, %ne3A_435 : i32
        %lt3A_437 = arith.constant 0 : i32
        %lt3A_438 = arith.cmpi slt, %rem3A_434, %lt3A_437 : i32
        %lt3A_439 = arith.constant 0 : i32
        %lt3A_440 = arith.cmpi slt, %select_n3A_433, %lt3A_439 : i32
        %ne3A_441 = arith.xori %lt3A_438, %lt3A_440 : i1
        %and3A_442 = arith.andi %ne3A_441, %ne3A_436 : i1
        %add3A_443 = arith.addi %rem3A_434, %select_n3A_433 : i32
        %select_n3A_444 = arith.select %and3A_442, %add3A_443, %rem3A_434 : i32
        %mul3A_445 = arith.constant 128 : i32
        %mul3A_446 = arith.muli %select_n3A_444, %mul3A_445 : i32
        %dma_start3A_447 = tpu.memref_slice %arg5[%sub3A_428, %mul3A_446] : memref<3x16384xi32, #tpu.memory_space<vmem>> -> memref<1x128xi32, #tpu.memory_space<vmem>>
        %dma_start3A_448 = tpu.memref_squeeze %dma_start3A_447 : memref<1x128xi32, #tpu.memory_space<vmem>> -> memref<128xi32, #tpu.memory_space<vmem>>
        %dma_start3A_449 = arith.constant 0 : i32
        %dma_start3A_450 = arith.constant 0 : i32
        %dma_start3A_451 = tpu.memref_slice %arg3[%dma_start3A_449, %dma_start3A_450] : memref<1000000x32xf32, #tpu.memory_space<hbm>> -> memref<1000000x32xf32, #tpu.memory_space<hbm>>
        tpu.enqueue_indirect_dma source(%dma_start3A_451 : memref<1000000x32xf32, #tpu.memory_space<hbm>>) target(%arg6 : memref<128x32xf32, #tpu.memory_space<vmem>>) offsets(%dma_start3A_448 : memref<128xi32, #tpu.memory_space<vmem>>) semaphore(%arg10 : memref<!tpu.dma_semaphore, #tpu.memory_space<semaphore_mem>>)
      } else {
      }
      %dma_wait3A_295 = arith.constant 0 : i32
      %dma_wait3A_296 = arith.constant 0 : i32
      %dma_wait3A_297 = tpu.memref_slice %arg3[%dma_wait3A_295, %dma_wait3A_296] : memref<1000000x32xf32, #tpu.memory_space<hbm>> -> memref<128x32xf32, #tpu.memory_space<hbm>>
      %dma_wait3A_298 = arith.constant 0 : i32
      %dma_wait3A_299 = arith.constant 0 : i32
      %dma_wait3A_300 = tpu.memref_slice %arg3[%dma_wait3A_298, %dma_wait3A_299] : memref<1000000x32xf32, #tpu.memory_space<hbm>> -> memref<128x32xf32, #tpu.memory_space<hbm>>
      tpu.wait_dma2 semaphore(%arg11 : memref<!tpu.dma_semaphore, #tpu.memory_space<semaphore_mem>>) src(%dma_wait3A_300 : memref<128x32xf32, #tpu.memory_space<hbm>>) dst(%arg7 : memref<128x32xf32, #tpu.memory_space<vmem>>)
      %ge3A_301 = arith.constant 2 : i32
      %ge3A_302 = arith.cmpi sge, %add3A_287, %ge3A_301 : i32
      %convert_element_type3A_303 = arith.extui %ge3A_302 : i1 to i32
      %cond3A_304 = arith.constant 0 : i32
      %cond3A_305 = arith.cmpi ne, %convert_element_type3A_303, %cond3A_304 : i32
      scf.if %cond3A_305 {
        %dma_wait3A_401 = arith.constant 0 : i32
        %dma_wait3A_402 = arith.constant 0 : i32
        %dma_wait3A_403 = tpu.memref_slice %arg9[%dma_wait3A_402] : memref<4096xf32, #tpu.memory_space<vmem>> -> memref<1024xf32, #tpu.memory_space<vmem>>
        %dma_wait3A_404 = arith.constant 0 : i32
        %dma_wait3A_405 = tpu.memref_slice %arg4[%dma_wait3A_401, %dma_wait3A_404] : memref<25600x1024xf32, #tpu.memory_space<hbm>> -> memref<1x1024xf32, #tpu.memory_space<hbm>>
        %dma_wait3A_406 = tpu.memref_squeeze %dma_wait3A_405 : memref<1x1024xf32, #tpu.memory_space<hbm>> -> memref<1024xf32, #tpu.memory_space<hbm>>
        %dma_wait3A_407 = arith.constant 0 : i32
        %dma_wait3A_408 = tpu.memref_slice %arg4[%dma_wait3A_401, %dma_wait3A_407] : memref<25600x1024xf32, #tpu.memory_space<hbm>> -> memref<1x1024xf32, #tpu.memory_space<hbm>>
        %dma_wait3A_409 = tpu.memref_squeeze %dma_wait3A_408 : memref<1x1024xf32, #tpu.memory_space<hbm>> -> memref<1024xf32, #tpu.memory_space<hbm>>
        %dma_wait3A_410 = arith.constant 0 : i32
        %dma_wait3A_411 = tpu.memref_slice %arg9[%dma_wait3A_410] : memref<4096xf32, #tpu.memory_space<vmem>> -> memref<1024xf32, #tpu.memory_space<vmem>>
        tpu.wait_dma2 semaphore(%arg13 : memref<!tpu.dma_semaphore, #tpu.memory_space<semaphore_mem>>) src(%dma_wait3A_411 : memref<1024xf32, #tpu.memory_space<vmem>>) dst(%dma_wait3A_409 : memref<1024xf32, #tpu.memory_space<hbm>>)
        %dma_wait3A_412 = arith.constant 0 : i32
        %dma_wait3A_413 = arith.constant 1024 : i32
        %dma_wait3A_414 = tpu.memref_slice %arg9[%dma_wait3A_413] : memref<4096xf32, #tpu.memory_space<vmem>> -> memref<1024xf32, #tpu.memory_space<vmem>>
        %dma_wait3A_415 = arith.constant 0 : i32
        %dma_wait3A_416 = tpu.memref_slice %arg4[%dma_wait3A_412, %dma_wait3A_415] : memref<25600x1024xf32, #tpu.memory_space<hbm>> -> memref<1x1024xf32, #tpu.memory_space<hbm>>
        %dma_wait3A_417 = tpu.memref_squeeze %dma_wait3A_416 : memref<1x1024xf32, #tpu.memory_space<hbm>> -> memref<1024xf32, #tpu.memory_space<hbm>>
        %dma_wait3A_418 = arith.constant 0 : i32
        %dma_wait3A_419 = tpu.memref_slice %arg4[%dma_wait3A_412, %dma_wait3A_418] : memref<25600x1024xf32, #tpu.memory_space<hbm>> -> memref<1x1024xf32, #tpu.memory_space<hbm>>
        %dma_wait3A_420 = tpu.memref_squeeze %dma_wait3A_419 : memref<1x1024xf32, #tpu.memory_space<hbm>> -> memref<1024xf32, #tpu.memory_space<hbm>>
        %dma_wait3A_421 = arith.constant 1024 : i32
        %dma_wait3A_422 = tpu.memref_slice %arg9[%dma_wait3A_421] : memref<4096xf32, #tpu.memory_space<vmem>> -> memref<1024xf32, #tpu.memory_space<vmem>>
        tpu.wait_dma2 semaphore(%arg13 : memref<!tpu.dma_semaphore, #tpu.memory_space<semaphore_mem>>) src(%dma_wait3A_422 : memref<1024xf32, #tpu.memory_space<vmem>>) dst(%dma_wait3A_420 : memref<1024xf32, #tpu.memory_space<hbm>>)
        %dma_wait3A_423 = arith.constant 0 : i32
        %dma_wait3A_424 = arith.constant 2048 : i32
        %dma_wait3A_425 = tpu.memref_slice %arg9[%dma_wait3A_424] : memref<4096xf32, #tpu.memory_space<vmem>> -> memref<1024xf32, #tpu.memory_space<vmem>>
        %dma_wait3A_426 = arith.constant 0 : i32
        %dma_wait3A_427 = tpu.memref_slice %arg4[%dma_wait3A_423, %dma_wait3A_426] : memref<25600x1024xf32, #tpu.memory_space<hbm>> -> memref<1x1024xf32, #tpu.memory_space<hbm>>
        %dma_wait3A_428 = tpu.memref_squeeze %dma_wait3A_427 : memref<1x1024xf32, #tpu.memory_space<hbm>> -> memref<1024xf32, #tpu.memory_space<hbm>>
        %dma_wait3A_429 = arith.constant 0 : i32
        %dma_wait3A_430 = tpu.memref_slice %arg4[%dma_wait3A_423, %dma_wait3A_429] : memref<25600x1024xf32, #tpu.memory_space<hbm>> -> memref<1x1024xf32, #tpu.memory_space<hbm>>
        %dma_wait3A_431 = tpu.memref_squeeze %dma_wait3A_430 : memref<1x1024xf32, #tpu.memory_space<hbm>> -> memref<1024xf32, #tpu.memory_space<hbm>>
        %dma_wait3A_432 = arith.constant 2048 : i32
        %dma_wait3A_433 = tpu.memref_slice %arg9[%dma_wait3A_432] : memref<4096xf32, #tpu.memory_space<vmem>> -> memref<1024xf32, #tpu.memory_space<vmem>>
        tpu.wait_dma2 semaphore(%arg13 : memref<!tpu.dma_semaphore, #tpu.memory_space<semaphore_mem>>) src(%dma_wait3A_433 : memref<1024xf32, #tpu.memory_space<vmem>>) dst(%dma_wait3A_431 : memref<1024xf32, #tpu.memory_space<hbm>>)
        %dma_wait3A_434 = arith.constant 0 : i32
        %dma_wait3A_435 = arith.constant 3072 : i32
        %dma_wait3A_436 = tpu.memref_slice %arg9[%dma_wait3A_435] : memref<4096xf32, #tpu.memory_space<vmem>> -> memref<1024xf32, #tpu.memory_space<vmem>>
        %dma_wait3A_437 = arith.constant 0 : i32
        %dma_wait3A_438 = tpu.memref_slice %arg4[%dma_wait3A_434, %dma_wait3A_437] : memref<25600x1024xf32, #tpu.memory_space<hbm>> -> memref<1x1024xf32, #tpu.memory_space<hbm>>
        %dma_wait3A_439 = tpu.memref_squeeze %dma_wait3A_438 : memref<1x1024xf32, #tpu.memory_space<hbm>> -> memref<1024xf32, #tpu.memory_space<hbm>>
        %dma_wait3A_440 = arith.constant 0 : i32
        %dma_wait3A_441 = tpu.memref_slice %arg4[%dma_wait3A_434, %dma_wait3A_440] : memref<25600x1024xf32, #tpu.memory_space<hbm>> -> memref<1x1024xf32, #tpu.memory_space<hbm>>
        %dma_wait3A_442 = tpu.memref_squeeze %dma_wait3A_441 : memref<1x1024xf32, #tpu.memory_space<hbm>> -> memref<1024xf32, #tpu.memory_space<hbm>>
        %dma_wait3A_443 = arith.constant 3072 : i32
        %dma_wait3A_444 = tpu.memref_slice %arg9[%dma_wait3A_443] : memref<4096xf32, #tpu.memory_space<vmem>> -> memref<1024xf32, #tpu.memory_space<vmem>>
        tpu.wait_dma2 semaphore(%arg13 : memref<!tpu.dma_semaphore, #tpu.memory_space<semaphore_mem>>) src(%dma_wait3A_444 : memref<1024xf32, #tpu.memory_space<vmem>>) dst(%dma_wait3A_442 : memref<1024xf32, #tpu.memory_space<hbm>>)
      } else {
      }
      %parallel_loop3A_306 = arith.constant 0 : i32
      %parallel_loop3A_307 = arith.constant 128 : i32
      %parallel_loop3A_308 = arith.constant 1 : i32
      scf.for %parallel_loop3A_401 = %parallel_loop3A_306 to %parallel_loop3A_307 step %parallel_loop3A_308  : i32 {
        %parallel_loop3A_402 = arith.index_cast %parallel_loop3A_401 : i32 to index
        %parallel_loop3A_403 = arith.constant 0 : index
        %parallel_loop3A_404 = tpu.vector_load %arg7[%parallel_loop3A_402, %parallel_loop3A_403] {strides = array<i32>} : memref<128x32xf32, #tpu.memory_space<vmem>>, vector<16xf32>,
        %parallel_loop3A_405 = vector.broadcast %parallel_loop3A_401 : i32 to vector<16xi32>
        %parallel_loop3A_406 = arith.addi %mul3A_25, %parallel_loop3A_405 : vector<16xi32>
        tpu.vector_store_idx %arg9[%parallel_loop3A_406], %parallel_loop3A_404 : memref<4096xf32, #tpu.memory_space<vmem>>[vector<16xi32>], vector<16xf32>,
        %parallel_loop3A_407 = arith.index_cast %parallel_loop3A_401 : i32 to index
        %parallel_loop3A_408 = arith.constant 16 : index
        %parallel_loop3A_409 = tpu.vector_load %arg7[%parallel_loop3A_407, %parallel_loop3A_408] {strides = array<i32>} : memref<128x32xf32, #tpu.memory_space<vmem>>, vector<16xf32>,
        %parallel_loop3A_410 = vector.broadcast %parallel_loop3A_401 : i32 to vector<16xi32>
        %parallel_loop3A_411 = arith.addi %mul3A_31, %parallel_loop3A_410 : vector<16xi32>
        tpu.vector_store_idx %arg9[%parallel_loop3A_411], %parallel_loop3A_409 : memref<4096xf32, #tpu.memory_space<vmem>>[vector<16xi32>], vector<16xf32>,
      } {sc.loop_unroll_factor = 16 : i64, sc.parallel_access}
      %add3A_309 = arith.addi %mul3A_2, %add3A_287 : i32
      %jit3A_310 = arith.constant 128 : i32
      %div3A_311 = arith.divsi %add3A_309, %jit3A_310 : i32
      %sign3A_312 = arith.constant 0 : i32
      %sign3A_313 = arith.cmpi sgt, %add3A_309, %sign3A_312 : i32
      %sign3A_314 = arith.extui %sign3A_313 : i1 to i32
      %sign3A_315 = arith.constant 0 : i32
      %sign3A_316 = arith.cmpi slt, %add3A_309, %sign3A_315 : i32
      %sign3A_317 = arith.extui %sign3A_316 : i1 to i32
      %sign3A_318 = arith.subi %sign3A_314, %sign3A_317 : i32
      %sign3A_319 = arith.constant 0 : i32
      %sign3A_320 = arith.cmpi sgt, %jit3A_310, %sign3A_319 : i32
      %sign3A_321 = arith.extui %sign3A_320 : i1 to i32
      %sign3A_322 = arith.constant 0 : i32
      %sign3A_323 = arith.cmpi slt, %jit3A_310, %sign3A_322 : i32
      %sign3A_324 = arith.extui %sign3A_323 : i1 to i32
      %sign3A_325 = arith.subi %sign3A_321, %sign3A_324 : i32
      %ne3A_326 = arith.cmpi ne, %sign3A_318, %sign3A_325 : i32
      %rem3A_327 = arith.remsi %add3A_309, %jit3A_310 : i32
      %ne3A_328 = arith.constant 0 : i32
      %ne3A_329 = arith.cmpi ne, %rem3A_327, %ne3A_328 : i32
      %and3A_330 = arith.andi %ne3A_326, %ne3A_329 : i1
      %sub3A_331 = arith.constant 1 : i32
      %sub3A_332 = arith.subi %div3A_311, %sub3A_331 : i32
      %select_n3A_333 = arith.select %and3A_330, %sub3A_332, %div3A_311 : i32
      %mul3A_334 = arith.constant 512 : i32
      %mul3A_335 = arith.muli %select_n3A_333, %mul3A_334 : i32
      %jit3A_336 = arith.constant 128 : i32
      %eq3A_337 = arith.constant 0 : i32
      %eq3A_338 = arith.cmpi eq, %jit3A_336, %eq3A_337 : i32
      %jit3A_339 = arith.constant 1 : i32
      %select_n3A_340 = arith.select %eq3A_338, %jit3A_339, %jit3A_336 : i32
      %rem3A_341 = arith.remsi %add3A_309, %select_n3A_340 : i32
      %ne3A_342 = arith.constant 0 : i32
      %ne3A_343 = arith.cmpi ne, %rem3A_341, %ne3A_342 : i32
      %lt3A_344 = arith.constant 0 : i32
      %lt3A_345 = arith.cmpi slt, %rem3A_341, %lt3A_344 : i32
      %lt3A_346 = arith.constant 0 : i32
      %lt3A_347 = arith.cmpi slt, %select_n3A_340, %lt3A_346 : i32
      %ne3A_348 = arith.xori %lt3A_345, %lt3A_347 : i1
      %and3A_349 = arith.andi %ne3A_348, %ne3A_343 : i1
      %add3A_350 = arith.addi %rem3A_341, %select_n3A_340 : i32
      %select_n3A_351 = arith.select %and3A_349, %add3A_350, %rem3A_341 : i32
      %add3A_352 = arith.addi %mul3A_335, %select_n3A_351 : i32
      %add3A_353 = arith.constant 0 : i32
      %add3A_354 = arith.addi %add3A_352, %add3A_353 : i32
      %dma_start3A_355 = arith.constant 0 : i32
      %dma_start3A_356 = tpu.memref_slice %arg9[%dma_start3A_355] : memref<4096xf32, #tpu.memory_space<vmem>> -> memref<1024xf32, #tpu.memory_space<vmem>>
      %dma_start3A_357 = arith.constant 0 : i32
      %dma_start3A_358 = tpu.memref_slice %arg4[%add3A_354, %dma_start3A_357] : memref<25600x1024xf32, #tpu.memory_space<hbm>> -> memref<1x1024xf32, #tpu.memory_space<hbm>>
      %dma_start3A_359 = tpu.memref_squeeze %dma_start3A_358 : memref<1x1024xf32, #tpu.memory_space<hbm>> -> memref<1024xf32, #tpu.memory_space<hbm>>
      %dma_start3A_360 = arith.constant 0 : i32
      %dma_start3A_361 = tpu.memref_slice %arg4[%add3A_354, %dma_start3A_360] : memref<25600x1024xf32, #tpu.memory_space<hbm>> -> memref<1x1024xf32, #tpu.memory_space<hbm>>
      %dma_start3A_362 = tpu.memref_squeeze %dma_start3A_361 : memref<1x1024xf32, #tpu.memory_space<hbm>> -> memref<1024xf32, #tpu.memory_space<hbm>>
      %dma_start3A_363 = arith.constant 0 : i32
      %dma_start3A_364 = tpu.memref_slice %arg9[%dma_start3A_363] : memref<4096xf32, #tpu.memory_space<vmem>> -> memref<1024xf32, #tpu.memory_space<vmem>>
      tpu.enqueue_dma source(%dma_start3A_364 : memref<1024xf32, #tpu.memory_space<vmem>>) target(%dma_start3A_362 : memref<1024xf32, #tpu.memory_space<hbm>>) target_semaphore(%arg13 : memref<!tpu.dma_semaphore, #tpu.memory_space<semaphore_mem>>)
      %add3A_365 = arith.constant 128 : i32
      %add3A_366 = arith.addi %add3A_352, %add3A_365 : i32
      %dma_start3A_367 = arith.constant 1024 : i32
      %dma_start3A_368 = tpu.memref_slice %arg9[%dma_start3A_367] : memref<4096xf32, #tpu.memory_space<vmem>> -> memref<1024xf32, #tpu.memory_space<vmem>>
      %dma_start3A_369 = arith.constant 0 : i32
      %dma_start3A_370 = tpu.memref_slice %arg4[%add3A_366, %dma_start3A_369] : memref<25600x1024xf32, #tpu.memory_space<hbm>> -> memref<1x1024xf32, #tpu.memory_space<hbm>>
      %dma_start3A_371 = tpu.memref_squeeze %dma_start3A_370 : memref<1x1024xf32, #tpu.memory_space<hbm>> -> memref<1024xf32, #tpu.memory_space<hbm>>
      %dma_start3A_372 = arith.constant 0 : i32
      %dma_start3A_373 = tpu.memref_slice %arg4[%add3A_366, %dma_start3A_372] : memref<25600x1024xf32, #tpu.memory_space<hbm>> -> memref<1x1024xf32, #tpu.memory_space<hbm>>
      %dma_start3A_374 = tpu.memref_squeeze %dma_start3A_373 : memref<1x1024xf32, #tpu.memory_space<hbm>> -> memref<1024xf32, #tpu.memory_space<hbm>>
      %dma_start3A_375 = arith.constant 1024 : i32
      %dma_start3A_376 = tpu.memref_slice %arg9[%dma_start3A_375] : memref<4096xf32, #tpu.memory_space<vmem>> -> memref<1024xf32, #tpu.memory_space<vmem>>
      tpu.enqueue_dma source(%dma_start3A_376 : memref<1024xf32, #tpu.memory_space<vmem>>) target(%dma_start3A_374 : memref<1024xf32, #tpu.memory_space<hbm>>) target_semaphore(%arg13 : memref<!tpu.dma_semaphore, #tpu.memory_space<semaphore_mem>>)
      %add3A_377 = arith.constant 256 : i32
      %add3A_378 = arith.addi %add3A_352, %add3A_377 : i32
      %dma_start3A_379 = arith.constant 2048 : i32
      %dma_start3A_380 = tpu.memref_slice %arg9[%dma_start3A_379] : memref<4096xf32, #tpu.memory_space<vmem>> -> memref<1024xf32, #tpu.memory_space<vmem>>
      %dma_start3A_381 = arith.constant 0 : i32
      %dma_start3A_382 = tpu.memref_slice %arg4[%add3A_378, %dma_start3A_381] : memref<25600x1024xf32, #tpu.memory_space<hbm>> -> memref<1x1024xf32, #tpu.memory_space<hbm>>
      %dma_start3A_383 = tpu.memref_squeeze %dma_start3A_382 : memref<1x1024xf32, #tpu.memory_space<hbm>> -> memref<1024xf32, #tpu.memory_space<hbm>>
      %dma_start3A_384 = arith.constant 0 : i32
      %dma_start3A_385 = tpu.memref_slice %arg4[%add3A_378, %dma_start3A_384] : memref<25600x1024xf32, #tpu.memory_space<hbm>> -> memref<1x1024xf32, #tpu.memory_space<hbm>>
      %dma_start3A_386 = tpu.memref_squeeze %dma_start3A_385 : memref<1x1024xf32, #tpu.memory_space<hbm>> -> memref<1024xf32, #tpu.memory_space<hbm>>
      %dma_start3A_387 = arith.constant 2048 : i32
      %dma_start3A_388 = tpu.memref_slice %arg9[%dma_start3A_387] : memref<4096xf32, #tpu.memory_space<vmem>> -> memref<1024xf32, #tpu.memory_space<vmem>>
      tpu.enqueue_dma source(%dma_start3A_388 : memref<1024xf32, #tpu.memory_space<vmem>>) target(%dma_start3A_386 : memref<1024xf32, #tpu.memory_space<hbm>>) target_semaphore(%arg13 : memref<!tpu.dma_semaphore, #tpu.memory_space<semaphore_mem>>)
      %add3A_389 = arith.constant 384 : i32
      %add3A_390 = arith.addi %add3A_352, %add3A_389 : i32
      %dma_start3A_391 = arith.constant 3072 : i32
      %dma_start3A_392 = tpu.memref_slice %arg9[%dma_start3A_391] : memref<4096xf32, #tpu.memory_space<vmem>> -> memref<1024xf32, #tpu.memory_space<vmem>>
      %dma_start3A_393 = arith.constant 0 : i32
      %dma_start3A_394 = tpu.memref_slice %arg4[%add3A_390, %dma_start3A_393] : memref<25600x1024xf32, #tpu.memory_space<hbm>> -> memref<1x1024xf32, #tpu.memory_space<hbm>>
      %dma_start3A_395 = tpu.memref_squeeze %dma_start3A_394 : memref<1x1024xf32, #tpu.memory_space<hbm>> -> memref<1024xf32, #tpu.memory_space<hbm>>
      %dma_start3A_396 = arith.constant 0 : i32
      %dma_start3A_397 = tpu.memref_slice %arg4[%add3A_390, %dma_start3A_396] : memref<25600x1024xf32, #tpu.memory_space<hbm>> -> memref<1x1024xf32, #tpu.memory_space<hbm>>
      %dma_start3A_398 = tpu.memref_squeeze %dma_start3A_397 : memref<1x1024xf32, #tpu.memory_space<hbm>> -> memref<1024xf32, #tpu.memory_space<hbm>>
      %dma_start3A_399 = arith.constant 3072 : i32
      %dma_start3A_400 = tpu.memref_slice %arg9[%dma_start3A_399] : memref<4096xf32, #tpu.memory_space<vmem>> -> memref<1024xf32, #tpu.memory_space<vmem>>
      tpu.enqueue_dma source(%dma_start3A_400 : memref<1024xf32, #tpu.memory_space<vmem>>) target(%dma_start3A_398 : memref<1024xf32, #tpu.memory_space<hbm>>) target_semaphore(%arg13 : memref<!tpu.dma_semaphore, #tpu.memory_space<semaphore_mem>>)
    }
    %scan3A_82 = arith.constant 100 : i32
    %dma_wait3A = arith.constant 0 : i32
    %dma_wait3A_83 = arith.constant 0 : i32
    %dma_wait3A_84 = tpu.memref_slice %arg8[%dma_wait3A_83] : memref<4096xf32, #tpu.memory_space<vmem>> -> memref<1024xf32, #tpu.memory_space<vmem>>
    %dma_wait3A_85 = arith.constant 0 : i32
    %dma_wait3A_86 = tpu.memref_slice %arg4[%dma_wait3A, %dma_wait3A_85] : memref<25600x1024xf32, #tpu.memory_space<hbm>> -> memref<1x1024xf32, #tpu.memory_space<hbm>>
    %dma_wait3A_87 = tpu.memref_squeeze %dma_wait3A_86 : memref<1x1024xf32, #tpu.memory_space<hbm>> -> memref<1024xf32, #tpu.memory_space<hbm>>
    %dma_wait3A_88 = arith.constant 0 : i32
    %dma_wait3A_89 = tpu.memref_slice %arg4[%dma_wait3A, %dma_wait3A_88] : memref<25600x1024xf32, #tpu.memory_space<hbm>> -> memref<1x1024xf32, #tpu.memory_space<hbm>>
    %dma_wait3A_90 = tpu.memref_squeeze %dma_wait3A_89 : memref<1x1024xf32, #tpu.memory_space<hbm>> -> memref<1024xf32, #tpu.memory_space<hbm>>
    %dma_wait3A_91 = arith.constant 0 : i32
    %dma_wait3A_92 = tpu.memref_slice %arg8[%dma_wait3A_91] : memref<4096xf32, #tpu.memory_space<vmem>> -> memref<1024xf32, #tpu.memory_space<vmem>>
    tpu.wait_dma2 semaphore(%arg12 : memref<!tpu.dma_semaphore, #tpu.memory_space<semaphore_mem>>) src(%dma_wait3A_92 : memref<1024xf32, #tpu.memory_space<vmem>>) dst(%dma_wait3A_90 : memref<1024xf32, #tpu.memory_space<hbm>>)
    %dma_wait3A_93 = arith.constant 0 : i32
    %dma_wait3A_94 = arith.constant 1024 : i32
    %dma_wait3A_95 = tpu.memref_slice %arg8[%dma_wait3A_94] : memref<4096xf32, #tpu.memory_space<vmem>> -> memref<1024xf32, #tpu.memory_space<vmem>>
    %dma_wait3A_96 = arith.constant 0 : i32
    %dma_wait3A_97 = tpu.memref_slice %arg4[%dma_wait3A_93, %dma_wait3A_96] : memref<25600x1024xf32, #tpu.memory_space<hbm>> -> memref<1x1024xf32, #tpu.memory_space<hbm>>
    %dma_wait3A_98 = tpu.memref_squeeze %dma_wait3A_97 : memref<1x1024xf32, #tpu.memory_space<hbm>> -> memref<1024xf32, #tpu.memory_space<hbm>>
    %dma_wait3A_99 = arith.constant 0 : i32
    %dma_wait3A_100 = tpu.memref_slice %arg4[%dma_wait3A_93, %dma_wait3A_99] : memref<25600x1024xf32, #tpu.memory_space<hbm>> -> memref<1x1024xf32, #tpu.memory_space<hbm>>
    %dma_wait3A_101 = tpu.memref_squeeze %dma_wait3A_100 : memref<1x1024xf32, #tpu.memory_space<hbm>> -> memref<1024xf32, #tpu.memory_space<hbm>>
    %dma_wait3A_102 = arith.constant 1024 : i32
    %dma_wait3A_103 = tpu.memref_slice %arg8[%dma_wait3A_102] : memref<4096xf32, #tpu.memory_space<vmem>> -> memref<1024xf32, #tpu.memory_space<vmem>>
    tpu.wait_dma2 semaphore(%arg12 : memref<!tpu.dma_semaphore, #tpu.memory_space<semaphore_mem>>) src(%dma_wait3A_103 : memref<1024xf32, #tpu.memory_space<vmem>>) dst(%dma_wait3A_101 : memref<1024xf32, #tpu.memory_space<hbm>>)
    %dma_wait3A_104 = arith.constant 0 : i32
    %dma_wait3A_105 = arith.constant 2048 : i32
    %dma_wait3A_106 = tpu.memref_slice %arg8[%dma_wait3A_105] : memref<4096xf32, #tpu.memory_space<vmem>> -> memref<1024xf32, #tpu.memory_space<vmem>>
    %dma_wait3A_107 = arith.constant 0 : i32
    %dma_wait3A_108 = tpu.memref_slice %arg4[%dma_wait3A_104, %dma_wait3A_107] : memref<25600x1024xf32, #tpu.memory_space<hbm>> -> memref<1x1024xf32, #tpu.memory_space<hbm>>
    %dma_wait3A_109 = tpu.memref_squeeze %dma_wait3A_108 : memref<1x1024xf32, #tpu.memory_space<hbm>> -> memref<1024xf32, #tpu.memory_space<hbm>>
    %dma_wait3A_110 = arith.constant 0 : i32
    %dma_wait3A_111 = tpu.memref_slice %arg4[%dma_wait3A_104, %dma_wait3A_110] : memref<25600x1024xf32, #tpu.memory_space<hbm>> -> memref<1x1024xf32, #tpu.memory_space<hbm>>
    %dma_wait3A_112 = tpu.memref_squeeze %dma_wait3A_111 : memref<1x1024xf32, #tpu.memory_space<hbm>> -> memref<1024xf32, #tpu.memory_space<hbm>>
    %dma_wait3A_113 = arith.constant 2048 : i32
    %dma_wait3A_114 = tpu.memref_slice %arg8[%dma_wait3A_113] : memref<4096xf32, #tpu.memory_space<vmem>> -> memref<1024xf32, #tpu.memory_space<vmem>>
    tpu.wait_dma2 semaphore(%arg12 : memref<!tpu.dma_semaphore, #tpu.memory_space<semaphore_mem>>) src(%dma_wait3A_114 : memref<1024xf32, #tpu.memory_space<vmem>>) dst(%dma_wait3A_112 : memref<1024xf32, #tpu.memory_space<hbm>>)
    %dma_wait3A_115 = arith.constant 0 : i32
    %dma_wait3A_116 = arith.constant 3072 : i32
    %dma_wait3A_117 = tpu.memref_slice %arg8[%dma_wait3A_116] : memref<4096xf32, #tpu.memory_space<vmem>> -> memref<1024xf32, #tpu.memory_space<vmem>>
    %dma_wait3A_118 = arith.constant 0 : i32
    %dma_wait3A_119 = tpu.memref_slice %arg4[%dma_wait3A_115, %dma_wait3A_118] : memref<25600x1024xf32, #tpu.memory_space<hbm>> -> memref<1x1024xf32, #tpu.memory_space<hbm>>
    %dma_wait3A_120 = tpu.memref_squeeze %dma_wait3A_119 : memref<1x1024xf32, #tpu.memory_space<hbm>> -> memref<1024xf32, #tpu.memory_space<hbm>>
    %dma_wait3A_121 = arith.constant 0 : i32
    %dma_wait3A_122 = tpu.memref_slice %arg4[%dma_wait3A_115, %dma_wait3A_121] : memref<25600x1024xf32, #tpu.memory_space<hbm>> -> memref<1x1024xf32, #tpu.memory_space<hbm>>
    %dma_wait3A_123 = tpu.memref_squeeze %dma_wait3A_122 : memref<1x1024xf32, #tpu.memory_space<hbm>> -> memref<1024xf32, #tpu.memory_space<hbm>>
    %dma_wait3A_124 = arith.constant 3072 : i32
    %dma_wait3A_125 = tpu.memref_slice %arg8[%dma_wait3A_124] : memref<4096xf32, #tpu.memory_space<vmem>> -> memref<1024xf32, #tpu.memory_space<vmem>>
    tpu.wait_dma2 semaphore(%arg12 : memref<!tpu.dma_semaphore, #tpu.memory_space<semaphore_mem>>) src(%dma_wait3A_125 : memref<1024xf32, #tpu.memory_space<vmem>>) dst(%dma_wait3A_123 : memref<1024xf32, #tpu.memory_space<hbm>>)
    %dma_wait3A_126 = arith.constant 0 : i32
    %dma_wait3A_127 = arith.constant 0 : i32
    %dma_wait3A_128 = tpu.memref_slice %arg9[%dma_wait3A_127] : memref<4096xf32, #tpu.memory_space<vmem>> -> memref<1024xf32, #tpu.memory_space<vmem>>
    %dma_wait3A_129 = arith.constant 0 : i32
    %dma_wait3A_130 = tpu.memref_slice %arg4[%dma_wait3A_126, %dma_wait3A_129] : memref<25600x1024xf32, #tpu.memory_space<hbm>> -> memref<1x1024xf32, #tpu.memory_space<hbm>>
    %dma_wait3A_131 = tpu.memref_squeeze %dma_wait3A_130 : memref<1x1024xf32, #tpu.memory_space<hbm>> -> memref<1024xf32, #tpu.memory_space<hbm>>
    %dma_wait3A_132 = arith.constant 0 : i32
    %dma_wait3A_133 = tpu.memref_slice %arg4[%dma_wait3A_126, %dma_wait3A_132] : memref<25600x1024xf32, #tpu.memory_space<hbm>> -> memref<1x1024xf32, #tpu.memory_space<hbm>>
    %dma_wait3A_134 = tpu.memref_squeeze %dma_wait3A_133 : memref<1x1024xf32, #tpu.memory_space<hbm>> -> memref<1024xf32, #tpu.memory_space<hbm>>
    %dma_wait3A_135 = arith.constant 0 : i32
    %dma_wait3A_136 = tpu.memref_slice %arg9[%dma_wait3A_135] : memref<4096xf32, #tpu.memory_space<vmem>> -> memref<1024xf32, #tpu.memory_space<vmem>>
    tpu.wait_dma2 semaphore(%arg13 : memref<!tpu.dma_semaphore, #tpu.memory_space<semaphore_mem>>) src(%dma_wait3A_136 : memref<1024xf32, #tpu.memory_space<vmem>>) dst(%dma_wait3A_134 : memref<1024xf32, #tpu.memory_space<hbm>>)
    %dma_wait3A_137 = arith.constant 0 : i32
    %dma_wait3A_138 = arith.constant 1024 : i32
    %dma_wait3A_139 = tpu.memref_slice %arg9[%dma_wait3A_138] : memref<4096xf32, #tpu.memory_space<vmem>> -> memref<1024xf32, #tpu.memory_space<vmem>>
    %dma_wait3A_140 = arith.constant 0 : i32
    %dma_wait3A_141 = tpu.memref_slice %arg4[%dma_wait3A_137, %dma_wait3A_140] : memref<25600x1024xf32, #tpu.memory_space<hbm>> -> memref<1x1024xf32, #tpu.memory_space<hbm>>
    %dma_wait3A_142 = tpu.memref_squeeze %dma_wait3A_141 : memref<1x1024xf32, #tpu.memory_space<hbm>> -> memref<1024xf32, #tpu.memory_space<hbm>>
    %dma_wait3A_143 = arith.constant 0 : i32
    %dma_wait3A_144 = tpu.memref_slice %arg4[%dma_wait3A_137, %dma_wait3A_143] : memref<25600x1024xf32, #tpu.memory_space<hbm>> -> memref<1x1024xf32, #tpu.memory_space<hbm>>
    %dma_wait3A_145 = tpu.memref_squeeze %dma_wait3A_144 : memref<1x1024xf32, #tpu.memory_space<hbm>> -> memref<1024xf32, #tpu.memory_space<hbm>>
    %dma_wait3A_146 = arith.constant 1024 : i32
    %dma_wait3A_147 = tpu.memref_slice %arg9[%dma_wait3A_146] : memref<4096xf32, #tpu.memory_space<vmem>> -> memref<1024xf32, #tpu.memory_space<vmem>>
    tpu.wait_dma2 semaphore(%arg13 : memref<!tpu.dma_semaphore, #tpu.memory_space<semaphore_mem>>) src(%dma_wait3A_147 : memref<1024xf32, #tpu.memory_space<vmem>>) dst(%dma_wait3A_145 : memref<1024xf32, #tpu.memory_space<hbm>>)
    %dma_wait3A_148 = arith.constant 0 : i32
    %dma_wait3A_149 = arith.constant 2048 : i32
    %dma_wait3A_150 = tpu.memref_slice %arg9[%dma_wait3A_149] : memref<4096xf32, #tpu.memory_space<vmem>> -> memref<1024xf32, #tpu.memory_space<vmem>>
    %dma_wait3A_151 = arith.constant 0 : i32
    %dma_wait3A_152 = tpu.memref_slice %arg4[%dma_wait3A_148, %dma_wait3A_151] : memref<25600x1024xf32, #tpu.memory_space<hbm>> -> memref<1x1024xf32, #tpu.memory_space<hbm>>
    %dma_wait3A_153 = tpu.memref_squeeze %dma_wait3A_152 : memref<1x1024xf32, #tpu.memory_space<hbm>> -> memref<1024xf32, #tpu.memory_space<hbm>>
    %dma_wait3A_154 = arith.constant 0 : i32
    %dma_wait3A_155 = tpu.memref_slice %arg4[%dma_wait3A_148, %dma_wait3A_154] : memref<25600x1024xf32, #tpu.memory_space<hbm>> -> memref<1x1024xf32, #tpu.memory_space<hbm>>
    %dma_wait3A_156 = tpu.memref_squeeze %dma_wait3A_155 : memref<1x1024xf32, #tpu.memory_space<hbm>> -> memref<1024xf32, #tpu.memory_space<hbm>>
    %dma_wait3A_157 = arith.constant 2048 : i32
    %dma_wait3A_158 = tpu.memref_slice %arg9[%dma_wait3A_157] : memref<4096xf32, #tpu.memory_space<vmem>> -> memref<1024xf32, #tpu.memory_space<vmem>>
    tpu.wait_dma2 semaphore(%arg13 : memref<!tpu.dma_semaphore, #tpu.memory_space<semaphore_mem>>) src(%dma_wait3A_158 : memref<1024xf32, #tpu.memory_space<vmem>>) dst(%dma_wait3A_156 : memref<1024xf32, #tpu.memory_space<hbm>>)
    %dma_wait3A_159 = arith.constant 0 : i32
    %dma_wait3A_160 = arith.constant 3072 : i32
    %dma_wait3A_161 = tpu.memref_slice %arg9[%dma_wait3A_160] : memref<4096xf32, #tpu.memory_space<vmem>> -> memref<1024xf32, #tpu.memory_space<vmem>>
    %dma_wait3A_162 = arith.constant 0 : i32
    %dma_wait3A_163 = tpu.memref_slice %arg4[%dma_wait3A_159, %dma_wait3A_162] : memref<25600x1024xf32, #tpu.memory_space<hbm>> -> memref<1x1024xf32, #tpu.memory_space<hbm>>
    %dma_wait3A_164 = tpu.memref_squeeze %dma_wait3A_163 : memref<1x1024xf32, #tpu.memory_space<hbm>> -> memref<1024xf32, #tpu.memory_space<hbm>>
    %dma_wait3A_165 = arith.constant 0 : i32
    %dma_wait3A_166 = tpu.memref_slice %arg4[%dma_wait3A_159, %dma_wait3A_165] : memref<25600x1024xf32, #tpu.memory_space<hbm>> -> memref<1x1024xf32, #tpu.memory_space<hbm>>
    %dma_wait3A_167 = tpu.memref_squeeze %dma_wait3A_166 : memref<1x1024xf32, #tpu.memory_space<hbm>> -> memref<1024xf32, #tpu.memory_space<hbm>>
    %dma_wait3A_168 = arith.constant 3072 : i32
    %dma_wait3A_169 = tpu.memref_slice %arg9[%dma_wait3A_168] : memref<4096xf32, #tpu.memory_space<vmem>> -> memref<1024xf32, #tpu.memory_space<vmem>>
    tpu.wait_dma2 semaphore(%arg13 : memref<!tpu.dma_semaphore, #tpu.memory_space<semaphore_mem>>) src(%dma_wait3A_169 : memref<1024xf32, #tpu.memory_space<vmem>>) dst(%dma_wait3A_167 : memref<1024xf32, #tpu.memory_space<hbm>>)
    return
  }
}

</mosaic_0001>

<sc_bundles>
// kernel: kernel.3.cloned.1.call-start
scs
__scs_entry_jumppad:
0x0: {  	(pc) =	sbr.rel $0x88, $3  }
0x1: {  	(tag) =	ssettag $0x0;
	lr =	simm.s32 $0x1  }
0x2: {  	[smem:$0x3F9F] =	sst lr;
	_ =	strace $0xD0000000  }
0x3: {  	_ = 	snop  }
0x4: {  	_ = 	snop  }
0x5: {  	_ = 	snop  }
0x6: {  	_ = 	snop  }
0x7: {  	_ = 	snop  }
__scs_overlays_trampoline_lowered:
0x8: {  	[smem:$0x3FAE] =	sst s0  }
0x9: {  	[smem:$0x3FAF] =	sst s1  }
0xa: {  	[smem:$0x3FB0] =	sst s2  }
0xb: {  	[smem:$0x3FB1] =	sst s3  }
0xc: {  	[smem:$0x3FB2] =	sst s4  }
0xd: {  	[smem:$0x3FB3] =	sst s5  }
0xe: {  	[smem:$0x3FB4] =	sst s6  }
0xf: {  	[smem:$0x3FB5] =	sst s7  }
0x10: {  	[smem:$0x3FB6] =	sst s8  }
0x11: {  	[smem:$0x3FB7] =	sst s9;
	s0 =	simm.s32 @!p0 $0x0  }
0x12: {  	s1 =	sld [smem:$0x3F9D];
	s0 =	simm.s32 @p0 $0x1  }
0x13: {  	[smem:$0x3FB8] =	sst s0;
	s0 =	simm.s32 @!p1 $0x0  }
0x14: {  	s2 =	sld [smem:$0x3F9C];
	s0 =	simm.s32 @p1 $0x1  }
0x15: {  	[smem:$0x3FB9] =	sst s0;
	s0 =	simm.s32 @!p2 $0x0  }
0x16: {  	s3 =	sld [smem:$0x3FDB];
	s0 =	simm.s32 @p2 $0x1  }
0x17: {  	s4 =	simm.s32 $0x1BF5;
	[smem:$0x3FBB] =	sst s0  }
0x18: {  	s0 =	sld [smem:$0x3F9E];
	_ =	swait.ge [sflag:s4], $0x0  }
0x19: {  	s7 =	sld [smem:$0x3F9F]  }
0x1a: {  	s8 =	sadd.s32 $0xFFFFE003, lr  }
0x1b: {  	s9 =	sadd.s32 $0xFFFFFEF7, lr;
	s5 =	simm.s32 $0xFFFFFFFF;
	p2 =	slt.u32 s8, $0xFFFFF086  }
0x1c: {  	p1 =	slt.u32 s9, $0xF7A;
	s5 =	simm.s32 @!p2 $0x0  }
0x1d: {  	s5 =	simm.s32 @p1 $0x1;
	p0 =	seq.s32 s7, s2  }
0x1e: {  	s7 =	smul.u32 @!p0 $0xF7A, s2;
	p2 =	seq.s32 @!p0 s5, $0x0  }
0x1f: {  	s9 =	smul.u32 $0xF7A, s1;
	s8 =	simm.s32 @!p0 $0x1BF5;
	p2 =	por !p2, p0  }
0x20: {  	[sflag:s8] =	ssyncset.s32 @!p0 $0xFFFFF086;
	s6 =	sadd.s32 @!p0 s3, s7;
	s7 =	simm.s32 @!p0 $0x108  }
0x21: {  	s3 =	sadd.s32 s3, s9;
	s6 =	sadd.s32 @!p0 $0x88, s6;
	s7 =	simm.s32 @p2 $0x1082  }
0x22: {  	[simem:s7], [sflag:s8] =	dma.local @!p0 [hbm:s6], $0xF7A  }
0x23: {  	s9 =	sor.u32 $0xD0000000, s2;
	s6 =	simm.s32 $0x108;
	_ =	swait.ge @!p0 [sflag:s8], $0x0  }
0x24: {  	s3 =	sadd.s32 $0x88, s3;
	s6 =	simm.s32 @!p1 $0x1082;
	[sflag:s4] =	ssyncset.s32 $0xFFFFF086  }
0x25: {  	[simem:s6], [sflag:s4] =	dma.local [hbm:s3], $0xF7A  }
0x26: {  	[smem:$0x3F9F] =	sst s1;
	(tag) =	ssettag s2;
	_ =	strace s9  }
0x27: {  	s1 =	sld [smem:$0x3FAF]  }
0x28: {  	s2 =	sld [smem:$0x3FB0]  }
0x29: {  	s4 =	sld [smem:$0x3FB2]  }
0x2a: {  	p0 =	seq.s32 s5, $0x0;
	s5 =	sld [smem:$0x3FB3]  }
0x2b: {  	s6 =	sld [smem:$0x3FB4]  }
0x2c: {  	s7 =	sld [smem:$0x3FB5]  }
0x2d: {  	s3 =	simm.s32 $0x108;
	s8 =	sld [smem:$0x3FB6]  }
0x2e: {  	s3 =	simm.s32 @!p0 $0x1082;
	s9 =	sld [smem:$0x3FB7]  }
0x2f: {  	lr =	sadd.s32 s0, s3;
	s0 =	sld [smem:$0x3FAE]  }
0x30: {  	s3 =	sld [smem:$0x3FB1]  }
0x31: {  	[smem:$0x3FBA] =	sst s10  }
0x32: {  	s10 =	sld [smem:$0x3FB8];
	_ =	sdelay $0x3  }
0x33: {  	p0 =	seq.s32 s10, $0x1;
	s10 =	sld [smem:$0x3FBA];
	_ =	sdelay $0x3  }
0x34: {  	[smem:$0x3FBA] =	sst s10  }
0x35: {  	s10 =	sld [smem:$0x3FB9];
	_ =	sdelay $0x3  }
0x36: {  	p1 =	seq.s32 s10, $0x1;
	s10 =	sld [smem:$0x3FBA];
	_ =	sdelay $0x3  }
0x37: {  	[smem:$0x3FBA] =	sst s10  }
0x38: {  	s10 =	sld [smem:$0x3FBB]  }
0x39: {  	_ = 	snop;
	(pc) =	sbr.ind lr, $3  }
0x3a: {  	_ = 	snop  }
0x3b: {  	_ = 	snop  }
0x3c: {  	p2 =	seq.s32 s10, $0x1;
	s10 =	sld [smem:$0x3FBA]  }
0x3d: {  	_ =	shalt  }
0x3e: {  	_ =	shalt  }
0x3f: {  	_ =	shalt  }
0x40: {  	_ =	shalt  }
0x41: {  	_ =	shalt  }
0x42: {  	_ =	shalt  }
0x43: {  	_ =	shalt  }
0x44: {  	_ =	shalt  }
0x45: {  	_ =	shalt  }
0x46: {  	_ =	shalt  }
0x47: {  	_ =	shalt  }
0x48: {  	_ =	shalt  }
0x49: {  	_ =	shalt  }
0x4a: {  	_ =	shalt  }
0x4b: {  	_ =	shalt  }
0x4c: {  	_ =	shalt  }
0x4d: {  	_ =	shalt  }
0x4e: {  	_ =	shalt  }
0x4f: {  	_ =	shalt  }
0x50: {  	_ =	shalt  }
0x51: {  	_ =	shalt  }
0x52: {  	_ =	shalt  }
0x53: {  	_ =	shalt  }
0x54: {  	_ =	shalt  }
0x55: {  	_ =	shalt  }
0x56: {  	_ =	shalt  }
0x57: {  	_ =	shalt  }
0x58: {  	_ =	shalt  }
0x59: {  	_ =	shalt  }
0x5a: {  	_ =	shalt  }
0x5b: {  	_ =	shalt  }
0x5c: {  	_ =	shalt  }
0x5d: {  	_ =	shalt  }
0x5e: {  	_ =	shalt  }
0x5f: {  	_ =	shalt  }
0x60: {  	_ =	shalt  }
0x61: {  	_ =	shalt  }
0x62: {  	_ =	shalt  }
0x63: {  	_ =	shalt  }
0x64: {  	_ =	shalt  }
0x65: {  	_ =	shalt  }
0x66: {  	_ =	shalt  }
0x67: {  	_ =	shalt  }
0x68: {  	_ =	shalt  }
0x69: {  	_ =	shalt  }
0x6a: {  	_ =	shalt  }
0x6b: {  	_ =	shalt  }
0x6c: {  	_ =	shalt  }
0x6d: {  	_ =	shalt  }
0x6e: {  	_ =	shalt  }
0x6f: {  	_ =	shalt  }
0x70: {  	_ =	shalt  }
0x71: {  	_ =	shalt  }
0x72: {  	_ =	shalt  }
0x73: {  	_ =	shalt  }
0x74: {  	_ =	shalt  }
0x75: {  	_ =	shalt  }
0x76: {  	_ =	shalt  }
0x77: {  	_ =	shalt  }
0x78: {  	_ =	shalt  }
0x79: {  	_ =	shalt  }
0x7a: {  	_ =	shalt  }
0x7b: {  	_ =	shalt  }
0x7c: {  	_ =	shalt  }
0x7d: {  	_ =	shalt  }
0x7e: {  	_ =	shalt  }
0x7f: {  	_ =	shalt  }
0x80: {  	_ =	shalt  }
0x81: {  	_ =	shalt  }
0x82: {  	_ =	shalt  }
0x83: {  	_ =	shalt  }
0x84: {  	_ =	shalt  }
0x85: {  	_ =	shalt  }
0x86: {  	_ =	shalt  }
0x87: {  	_ =	shalt  }
.Lfunc_end0:
.L_simem_size_0:
called_computation_lowered:
.L_overlay_start_0:
0x88: {  	s2 =	sld [smem:$0x3FD9]  }
0x89: {  	s3 =	sld [smem:$0x3FFE];
	_ =	sdelay $0x1  }
0x8a: {  	s1 =	srdreg.scid  }
0x8b: {  	s0 =	sand.u32 $0x1, s1  }
0x8c: {  	s17 =	sshll.u32 s0, $0xA;
	s2 =	sadd.s32 s3, s2  }
0x8d: {  	s2 =	sadd.s32 s2, s17  }
0x8e: {  	[smem:$0x3FC6] =	sst s2  }
0x8f: {  	_ = 	snop  }
0x90: {  	s2 =	sld [smem:$0x3FD0];
	(tm) =	ssettm $0x1  }
0x91: {  	s18 =	sld [smem:$0x3FFB];
	_ =	sdelay $0x3  }
0x92: {  	_ =	strace s18  }
0x93: {  	s3 =	sld [smem:$0x3FFC];
	_ =	sdelay $0x3  }
0x94: {  	_ =	strace s3  }
0x95: {  	s3 =	sld [smem:$0x3FFD];
	_ =	sdelay $0x3  }
0x96: {  	_ =	strace s3  }
0x97: {  	_ =	strace $0x8FFFFFFF  }
0x98: {  	s19 =	sld [smem:$0x3FDB];
	_ =	sdelay $0x1  }
0x99: {  	s4 =	simm.s32 $_scs_section_size  }
0x9a: {  	s5 =	simm.s32 $_size__tile_overlayer_lowered;
	s6 =	simm.s32 $_tile_overlayer_lowered  }
0x9b: {  	s22 =	simm.s32 $0x1BFF;
	s21 =	sshll.u32 s6, $0x1;
	s3 =	sadd.s32 s4, s19  }
0x9c: {  	s7 =	simm.s32 $0x0;
	s20 =	sshll.u32 s5, $0x1;
	s5 =	sadd.s32 s21, s3  }
0x9d: {  	[timem:s7], [sflag:s22] =	dma.local [hbm:s5], s20  }
0x9e: {  	_ =	swait.ge [sflag:s22], s20  }
0x9f: {  	s4 =	ssub.s32 $0x0, s20;
	[sflag:s22] =	ssyncset.done $0x0  }
0xa0: {  	[sflag:s22] =	ssyncadd.s32 s4;
	_ =	sdelay $0x1  }
0xa1: {  	s23 =	simm.s32 $0x1B8B  }
0xa2: {  	_ =	swait.ge [sflag:s23], $0x1  }
0xa3: {  	[sflag:s23] =	ssyncset.done $0x0  }
0xa4: {  	s25 =	simm.s32 $0x1B8E;
	s24 =	sld [smem:$0x3FFE];
	[sflag:s23] =	ssyncadd.s32 $0xFFFFFFFF  }
0xa5: {  	s26 =	simm.s32 $execute0_lowered;
	[smem:$0x3FD2] =	sst s25  }
0xa6: {  	s5 =	sshll.u32 s26, $0x1;
	_ =	strace $0x80000046;
	[dreg:$0x1] =	wrdreg $0xFFFFFFFF  }
0xa7: {  	s28 =	simm.s32 $_size_execute0_lowered;
	s3 =	sadd.s32 s3, s5;
	[dreg:$0x0] =	wrdreg $0x0  }
0xa8: {  	s5 =	sshll.u32 s28, $0x1;
	[dreg:$0x2] =	wrdreg s3  }
0xa9: {  	[dreg:$0x3] =	wrdreg s5  }
0xaa: {  	[dreg:$0x4] =	wrdreg $0xC0  }
0xab: {  	_ =	task [dreg:s7], $0x5FFFF  }
0xac: {  	[dreg:$0x1] =	wrdreg $0xFFFFFFFF  }
0xad: {  	[dreg:$0x0] =	wrdreg $0x60  }
0xae: {  	[dreg:$0x2] =	wrdreg s24  }
0xaf: {  	[dreg:$0x3] =	wrdreg s2  }
0xb0: {  	[dreg:$0x4] =	wrdreg $0x9  }
0xb1: {  	_ =	task.clear_ibuf [dreg:s7], $0x5FFFF;
	_ =	strace $0x90000046  }
0xb2: {  	s29 =	simm.s32 $0x9;
	_ =	strace $0x80000048  }
0xb3: {  	_ =	swait.ge [sflag:s29], $0x1  }
0xb4: {  	[sflag:s29] =	ssyncadd.s32 $0xFFFFFFFF  }
0xb5: {  	_ =	strace $0x90000048  }
0xb6: {  	_ =	sfence  }
0xb7: {  	s30 =	sld [smem:$0x0];
	_ =	sdelay $0x2  }
0xb8: {  	s31 =	sshll.u32 s1, $0xD;
	s1 =	sshrl.u32 s1, $0x2  }
0xb9: {  	s3 =	sand.u32 $0x4000, s31;
	s1 =	sadd.s32 s1, s30  }
0xba: {  	s0 =	sor.u32 s3, s0;
	s1 =	sshll.u32 s1, $0x11  }
0xbb: {  	s0 =	sor.u32 s1, s0  }
0xbc: {  	s0 =	sadd.s32 $0x8F2B, s0  }
0xbd: {  	[sflag:s0] =	ssyncadd.remote.s32 $0x1  }
0xbe: {  	_ =	sfence.sel $0xFFFF  }
0xbf: {  	[dreg:$0x0] =	wrdreg $0xFFFFFFFF;
	(pc) =	sbr.abs _section_cstart, $3  }
0xc0: {  	[dreg:$0x1] =	wrdreg $0xFFFFFFFF  }
0xc1: {  	_ =	task.clear_ibuf [dreg:s7], $0x2FFFF;
	_ =	strace $0x9FFFFFFF  }
0xc2: {  	(tm) =	ssettm $0x7FFFFFFF  }
0xc3: {  	_ =	shalt  }
tec
execute0_lowered:
.L_overlay_start_1:
0x0: {  	(tag) =	ssettag $0x1  }
0x1: {  	s0 =	srdreg.scid  }
0x2: {  	s1 =	stileid.u32;
	s3 =	rddreg [dreg:$0x0]  }
0x3: {  	s31 =	rddreg [dreg:$0x1];
	s4 =	simm.s32 $0x0;
	s19 =	simm.s32 $0xE000  }
0x4: {  	s23 =	simm.s32 $0x2;
	s0 =	sand.u32 $0x1, s0;
	s1 =	sshll.u32 s1, $0x1  }
0x5: {  	s24 =	simm.s32 $0x4;
	s25 =	simm.s32 $0xF000;
	s1 =	sor.u32 s0, s1  }
0x6: {  	[smem:$0x7FF] =	sst s4;
	s0 =	ssub.s32 $0x2, s0;
	s2 =	smul.u32 $0xC8, s1  }
0x7: {  	s9 =	sadd.s32 $0x4000, s31;
	_ =	strace $0x80000047;
	s26 =	sshrl.u32 s0, $0x1  }
0x8: {  	s1 =	smul.u32 $0x2400, s1;
	s0 =	ssub.s32 s0, s26;
	s30 =	sor.u32 $0x2, s2  }
0x9: {  	s5 =	sshrl.u32 s2, $0x7;
	s0 =	smax.u32 s0, $0x1;
	[dreg:$0x7] =	wrdreg s30  }
0xa: {  	s1 =	sand.u32 $0x3C00, s1;
	s8 =	smin.u32 s5, $0x2F;
	[dreg:$0x8] =	wrdreg s0  }
0xb: {  	s6 =	sshll.u32 s8, $0xB;
	[dreg:$0x3] =	wrdreg s8;
	s5 =	ssub.s32 s5, s8  }
0xc: {  	v0 =	vlaneseq.u32;
	s7 =	sadd.s32 s6, s3;
	s3 =	sadd.s32 $0xF42A00, s3;
	s5 =	sshll.u32 s5, $0x10  }
0xd: {  	v0 =	vmul.u32 $0x80, v0;
	[dreg:$0x4] =	wrdreg s3;
	s28 =	sshra.s32 s5, $0x2;
	s29 =	sadd.s32 $0x600, s7  }
0xe: {  	s10 =	sadd.s32 $0x8000, s31;
	[dreg:$0x5] =	wrdreg s29;
	s1 =	sor.u32 s1, s28  }
0xf: {  	s11 =	sadd.s32 $0xC000, s31;
	v1 =	vor.u32 $0x800, v0;
	[dreg:$0x6] =	wrdreg s1;
	s1 =	simm.s32 $0x0  }
.LBB2_1:
0x10: {  	[dreg:$0x9] =	wrdreg s1  }
0x11: {  	s0 =	rddreg [dreg:$0x5];
	s28 =	simm.s32 $0x5  }
0x12: {  	[tilespmem:s4], [sflag:$0x5] =	stream.linear.gather [hbm4b:s0+s4], $0xC000, $0x38;
	[tilespmem:$0x10000] =	vst v63  }
0x13: {  	s3 =	simm.s32 $0x80;
	_ =	swait.ge [sflag:s28], $0xC000  }
0x14: {  	s5 =	simm.s32 $0xC000;
	[sflag:s28] =	ssyncset.done $0x0;
	s29 =	rddreg [dreg:$0x4]  }
0x15: {  	s1 =	simm.s32 $0x0;
	s30 =	rddreg [dreg:$0x6];
	[sflag:s28] =	ssyncadd.s32 $0xFFFF4000  }
0x16: {  	[tilespmem:s5], [sflag:$0x1] =	stream.indirect.gather [hbm4b:s29+s3], $0x20, s30, s3, $0xb8;
	[tilespmem:$0x10000] =	vst v63  }
.LBB2_2:
0x17: {  	s7 =	sshll.u32 s1, $0x1  }
0x18: {  	s0 =	sadd.s32 s7, s2  }
0x19: {  	s0 =	sadd.s32 $0x1, s0  }
0x1a: {  	s5 =	rddreg [dreg:$0x3];
	s3 =	sshrl.u32 s0, $0x7  }
0x1b: {  	s6 =	smov.u32 s31;
	s3 =	ssub.s32 s3, s5  }
0x1c: {  	s30 =	rddreg [dreg:$0x4];
	s29 =	sshll.u32 s0, $0x7;
	s3 =	sshll.u32 s3, $0x10  }
0x1d: {  	s8 =	simm.s32 $0x80;
	s5 =	sand.u32 $0x3F80, s29;
	s3 =	sshra.s32 s3, $0x2  }
0x1e: {  	s12 =	simm.s32 $0xD000;
	s31 =	simm.s32 $0x1;
	s3 =	sor.u32 s5, s3  }
0x1f: {  	[tilespmem:s12], [sflag:$0x2] =	stream.indirect.gather [hbm4b:s30+s8], $0x20, s3, s8, $0xb8;
	[tilespmem:$0x10000] =	vst v63  }
0x20: {  	_ =	swait.ge [sflag:s31], $0x1000  }
0x21: {  	p0 =	seq.s32 s1, $0x0;
	[sflag:s31] =	ssyncset.done $0x0  }
0x22: {  	s3 =	simm.s32 @!p0 $0x3;
	[sflag:s31] =	ssyncadd.s32 $0xFFFFF000  }
0x23: {  	_ =	swait.ge @!p0 [sflag:s3], $0x400  }
0x24: {  	[sflag:s3] =	ssyncset.done @!p0 $0x0  }
0x25: {  	[sflag:s3] =	ssyncadd.s32 @!p0 $0xFFFFFC00  }
0x26: {  	_ =	swait.ge @!p0 [sflag:s3], $0x400  }
0x27: {  	[sflag:s3] =	ssyncset.done @!p0 $0x0  }
0x28: {  	[sflag:s3] =	ssyncadd.s32 @!p0 $0xFFFFFC00  }
0x29: {  	_ =	swait.ge @!p0 [sflag:s3], $0x400  }
0x2a: {  	[sflag:s3] =	ssyncset.done @!p0 $0x0  }
0x2b: {  	[sflag:s3] =	ssyncadd.s32 @!p0 $0xFFFFFC00  }
0x2c: {  	_ =	swait.ge @!p0 [sflag:s3], $0x400  }
0x2d: {  	[sflag:s3] =	ssyncset.done @!p0 $0x0  }
0x2e: {  	s13 =	simm.s32 $0xC100;
	s5 =	simm.s32 $0xF;
	[sflag:s3] =	ssyncadd.s32 @!p0 $0xFFFFFC00  }
0x2f: {  	s8 =	simm.s32 $0x1;
	v3 =	vor.u32 s5, v0;
	v2 =	vld [tilespmem:s13+$0xE0]  }
0x30: {  	s12 =	simm.s32 $0x2;
	v5 =	vor.u32 s8, v0;
	v4 =	vld [tilespmem:s13+$0xFFFFFF20]  }
0x31: {  	s30 =	simm.s32 $0x3;
	v7 =	vor.u32 s12, v0;
	v6 =	vld [tilespmem:s13+$0xFFFFFF40]  }
0x32: {  	s14 =	simm.s32 $0x4;
	v9 =	vor.u32 s30, v0;
	v8 =	vld [tilespmem:s13+$0xFFFFFF60]  }
0x33: {  	s15 =	simm.s32 $0x5;
	v11 =	vor.u32 s14, v0;
	v10 =	vld [tilespmem:s13+$0xFFFFFF80]  }
0x34: {  	s20 =	simm.s32 $0xA;
	v13 =	vor.u32 s15, v0;
	v12 =	vld [tilespmem:s13+$0xFFFFFFA0];
	[tilespmem:v3+s19+$0x0] =	vst.idx.msk $0xffff, v2  }
0x35: {  	s16 =	simm.s32 $0x6;
	v59 =	vor.u32 s20, v0;
	v58 =	vld [tilespmem:s13+$0x40];
	[tilespmem:v5+s19+$0x0] =	vst.idx.msk $0xffff, v4  }
0x36: {  	s31 =	simm.s32 $0x7;
	[tilespmem:v7+s19+$0x0] =	vst.idx.msk $0xffff, v6;
	v4 =	vld [tilespmem:s13+$0xFFFFFFC0];
	v5 =	vor.u32 s16, v0  }
0x37: {  	[tilespmem:v9+s19+$0x0] =	vst.idx.msk $0xffff, v8;
	v6 =	vld [tilespmem:s13+$0xFFFFFFE0];
	v7 =	vor.u32 s31, v0  }
0x38: {  	s17 =	simm.s32 $0x8;
	v3 =	vor.u32 s5, v1;
	[tilespmem:v11+s19+$0x0] =	vst.idx.msk $0xffff, v10;
	v2 =	vld [tilespmem:s13+$0xF0]  }
0x39: {  	s18 =	simm.s32 $0x9;
	v8 =	vld [tilespmem:s13+$0x0];
	v9 =	vor.u32 s17, v0;
	[tilespmem:v13+s19+$0x0] =	vst.idx.msk $0xffff, v12  }
0x3a: {  	v10 =	vld [tilespmem:s13+$0x20];
	v11 =	vor.u32 s18, v0;
	[tilespmem:v59+s19+$0x0] =	vst.idx.msk $0xffff, v58  }
0x3b: {  	s22 =	simm.s32 $0xC;
	v60 =	vor.u32 s8, v1;
	v61 =	vld [tilespmem:s13+$0xFFFFFF30];
	[tilespmem:v5+s19+$0x0] =	vst.idx.msk $0xffff, v4  }
0x3c: {  	s21 =	simm.s32 $0xB;
	[tilespmem:v7+s19+$0x0] =	vst.idx.msk $0xffff, v6;
	v4 =	vld [tilespmem:s13+$0x80];
	v5 =	vor.u32 s22, v0  }
0x3d: {  	s26 =	simm.s32 $0xD;
	[tilespmem:v3+s19+$0x0] =	vst.idx.msk $0xffff, v2;
	v2 =	vld [tilespmem:s13+$0x60];
	v3 =	vor.u32 s21, v0  }
0x3e: {  	s28 =	simm.s32 $0xE;
	[tilespmem:v9+s19+$0x0] =	vst.idx.msk $0xffff, v8;
	v6 =	vld [tilespmem:s13+$0xA0];
	v7 =	vor.u32 s26, v0  }
0x3f: {  	s29 =	simm.s32 $0x0;
	[tilespmem:v11+s19+$0x0] =	vst.idx.msk $0xffff, v10;
	v8 =	vld [tilespmem:s13+$0xC0];
	v9 =	vor.u32 s28, v0  }
0x40: {  	v10 =	vld [tilespmem:s13+$0xFFFFFF00];
	v11 =	vor.u32 s29, v0;
	[tilespmem:v60+s19+$0x0] =	vst.idx.msk $0xffff, v61  }
0x41: {  	[tilespmem:v5+s19+$0x0] =	vst.idx.msk $0xffff, v4;
	v4 =	vor.u32 s30, v1;
	v5 =	vld [tilespmem:s13+$0xFFFFFF70]  }
0x42: {  	[tilespmem:v3+s19+$0x0] =	vst.idx.msk $0xffff, v2;
	v2 =	vor.u32 s12, v1;
	v3 =	vld [tilespmem:s13+$0xFFFFFF50]  }
0x43: {  	[tilespmem:v7+s19+$0x0] =	vst.idx.msk $0xffff, v6;
	v6 =	vor.u32 s14, v1;
	v7 =	vld [tilespmem:s13+$0xFFFFFF90]  }
0x44: {  	[tilespmem:v9+s19+$0x0] =	vst.idx.msk $0xffff, v8;
	v8 =	vor.u32 s15, v1;
	v9 =	vld [tilespmem:s13+$0xFFFFFFB0]  }
0x45: {  	[tilespmem:v11+s19+$0x0] =	vst.idx.msk $0xffff, v10;
	v10 =	vor.u32 s16, v1;
	v11 =	vld [tilespmem:s13+$0xFFFFFFD0]  }
0x46: {  	v63 =	vor.u32 s20, v1;
	v14 =	vld [tilespmem:s13+$0x50];
	[tilespmem:v4+s19+$0x0] =	vst.idx.msk $0xffff, v5  }
0x47: {  	v4 =	vld [tilespmem:s13+$0x10];
	[tilespmem:v2+s19+$0x0] =	vst.idx.msk $0xffff, v3;
	v3 =	vor.u32 s17, v1  }
0x48: {  	v5 =	vor.u32 s18, v1;
	[tilespmem:v6+s19+$0x0] =	vst.idx.msk $0xffff, v7;
	v6 =	vld [tilespmem:s13+$0x30]  }
0x49: {  	v62 =	vor.u32 s31, v1;
	[tilespmem:v8+s19+$0x0] =	vst.idx.msk $0xffff, v9;
	v2 =	vld [tilespmem:s13+$0xFFFFFFF0]  }
0x4a: {  	[tilespmem:v10+s19+$0x0] =	vst.idx.msk $0xffff, v11;
	v9 =	vld [tilespmem:s13+$0x70];
	v11 =	vor.u32 s21, v1  }
0x4b: {  	[tilespmem:v63+s19+$0x0] =	vst.idx.msk $0xffff, v14;
	v7 =	vld [tilespmem:s13+$0x90];
	v10 =	vor.u32 s22, v1  }
0x4c: {  	v8 =	vor.u32 s26, v1;
	[tilespmem:v3+s19+$0x0] =	vst.idx.msk $0xffff, v4;
	v3 =	vld [tilespmem:s13+$0xB0]  }
0x4d: {  	s8 =	simm.s32 $0x10;
	[tilespmem:v5+s19+$0x0] =	vst.idx.msk $0xffff, v6;
	v5 =	vor.u32 s28, v1;
	v4 =	vld [tilespmem:s13+$0xD0]  }
0x4e: {  	s14 =	simm.s32 $0x20;
	s21 =	simm.s32 $0x1F;
	v6 =	vor.u32 s29, v1;
	[tilespmem:v62+s19+$0x0] =	vst.idx.msk $0xffff, v2;
	v2 =	vld [tilespmem:s13+$0xFFFFFF10];
	s13 =	simm.s32 $0xC300  }
.LBB2_3:
0x4f: {  	p1 =	slt.u32 s14, $0x70;
	s31 =	sadd.s32 $0x1, s8;
	v12 =	vld [tilespmem:s13+$0xE0];
	v13 =	vor.u32 s21, v0;
	[tilespmem:v11+s19+$0x0] =	vst.idx.msk $0xffff, v9;
	s30 =	smov.u32 s8  }
0x50: {  	s8 =	smov.u32 s14;
	v9 =	vld [tilespmem:s13+$0xFFFFFF20];
	v11 =	vor.u32 s31, v0;
	s16 =	sadd.s32 $0x2, s30;
	[tilespmem:v10+s19+$0x0] =	vst.idx.msk $0xffff, v7  }
0x51: {  	s12 =	sadd.s32 $0x3, s30;
	v7 =	vld [tilespmem:s13+$0xFFFFFF40];
	v10 =	vor.u32 s16, v0;
	[tilespmem:v8+s19+$0x0] =	vst.idx.msk $0xffff, v3  }
0x52: {  	s17 =	sadd.s32 $0x4, s30;
	v8 =	vor.u32 s12, v0;
	v3 =	vld [tilespmem:s13+$0xFFFFFF60];
	[tilespmem:v5+s19+$0x0] =	vst.idx.msk $0xffff, v4  }
0x53: {  	s20 =	sadd.s32 $0x5, s30;
	v5 =	vor.u32 s17, v0;
	v4 =	vld [tilespmem:s13+$0xFFFFFF80];
	[tilespmem:v6+s19+$0x0] =	vst.idx.msk $0xffff, v2  }
0x54: {  	v6 =	vor.u32 s20, v0;
	v2 =	vld [tilespmem:s13+$0xFFFFFFA0];
	[tilespmem:v13+s19+$0x0] =	vst.idx.msk $0xffff, v12  }
0x55: {  	s22 =	sadd.s32 $0x6, s30;
	[tilespmem:v11+s19+$0x0] =	vst.idx.msk $0xffff, v9;
	v9 =	vld [tilespmem:s13+$0xF0];
	v11 =	vor.u32 s21, v1  }
0x56: {  	s21 =	sadd.s32 $0x7, s30;
	[tilespmem:v10+s19+$0x0] =	vst.idx.msk $0xffff, v7;
	v7 =	vld [tilespmem:s13+$0xFFFFFFC0];
	v10 =	vor.u32 s22, v0  }
0x57: {  	s26 =	sadd.s32 $0x8, s30;
	[tilespmem:v8+s19+$0x0] =	vst.idx.msk $0xffff, v3;
	v3 =	vld [tilespmem:s13+$0xFFFFFFE0];
	v8 =	vor.u32 s21, v0  }
0x58: {  	s28 =	sadd.s32 $0x9, s30;
	[tilespmem:v5+s19+$0x0] =	vst.idx.msk $0xffff, v4;
	v4 =	vld [tilespmem:s13+$0x0];
	v5 =	vor.u32 s26, v0  }
0x59: {  	s29 =	sadd.s32 $0xA, s30;
	[tilespmem:v6+s19+$0x0] =	vst.idx.msk $0xffff, v2;
	v2 =	vld [tilespmem:s13+$0x20];
	v6 =	vor.u32 s28, v0  }
0x5a: {  	s15 =	sadd.s32 $0xB, s30;
	v13 =	vor.u32 s29, v0;
	v12 =	vld [tilespmem:s13+$0x40];
	[tilespmem:v11+s19+$0x0] =	vst.idx.msk $0xffff, v9  }
0x5b: {  	s3 =	sadd.s32 $0xC, s30;
	v9 =	vor.u32 s15, v0;
	[tilespmem:v10+s19+$0x0] =	vst.idx.msk $0xffff, v7;
	v7 =	vld [tilespmem:s13+$0x60]  }
0x5c: {  	s5 =	sadd.s32 $0xD, s30;
	[tilespmem:v8+s19+$0x0] =	vst.idx.msk $0xffff, v3;
	v3 =	vld [tilespmem:s13+$0x80];
	v8 =	vor.u32 s3, v0  }
0x5d: {  	s18 =	sadd.s32 $0xE, s30;
	[tilespmem:v5+s19+$0x0] =	vst.idx.msk $0xffff, v4;
	v4 =	vld [tilespmem:s13+$0xA0];
	v5 =	vor.u32 s5, v0  }
0x5e: {  	[tilespmem:v6+s19+$0x0] =	vst.idx.msk $0xffff, v2;
	v2 =	vld [tilespmem:s13+$0xC0];
	v6 =	vor.u32 s18, v0  }
0x5f: {  	v11 =	vor.u32 s30, v0;
	v10 =	vld [tilespmem:s13+$0xFFFFFF00];
	[tilespmem:v13+s19+$0x0] =	vst.idx.msk $0xffff, v12  }
0x60: {  	v13 =	vor.u32 s31, v1;
	v12 =	vld [tilespmem:s13+$0xFFFFFF30];
	[tilespmem:v9+s19+$0x0] =	vst.idx.msk $0xffff, v7  }
0x61: {  	v9 =	vor.u32 s16, v1;
	v7 =	vld [tilespmem:s13+$0xFFFFFF50];
	[tilespmem:v8+s19+$0x0] =	vst.idx.msk $0xffff, v3  }
0x62: {  	v8 =	vor.u32 s12, v1;
	v3 =	vld [tilespmem:s13+$0xFFFFFF70];
	[tilespmem:v5+s19+$0x0] =	vst.idx.msk $0xffff, v4  }
0x63: {  	v5 =	vor.u32 s17, v1;
	v4 =	vld [tilespmem:s13+$0xFFFFFF90];
	[tilespmem:v6+s19+$0x0] =	vst.idx.msk $0xffff, v2  }
0x64: {  	v6 =	vor.u32 s20, v1;
	[tilespmem:v11+s19+$0x0] =	vst.idx.msk $0xffff, v10;
	v2 =	vld [tilespmem:s13+$0xFFFFFFB0]  }
0x65: {  	v11 =	vor.u32 s22, v1;
	[tilespmem:v13+s19+$0x0] =	vst.idx.msk $0xffff, v12;
	v10 =	vld [tilespmem:s13+$0xFFFFFFD0]  }
0x66: {  	v12 =	vor.u32 s21, v1;
	[tilespmem:v9+s19+$0x0] =	vst.idx.msk $0xffff, v7;
	v7 =	vld [tilespmem:s13+$0xFFFFFFF0]  }
0x67: {  	[tilespmem:v8+s19+$0x0] =	vst.idx.msk $0xffff, v3;
	v3 =	vld [tilespmem:s13+$0x10];
	v8 =	vor.u32 s26, v1  }
0x68: {  	[tilespmem:v5+s19+$0x0] =	vst.idx.msk $0xffff, v4;
	v4 =	vld [tilespmem:s13+$0x30];
	v5 =	vor.u32 s28, v1  }
0x69: {  	v14 =	vor.u32 s29, v1;
	[tilespmem:v6+s19+$0x0] =	vst.idx.msk $0xffff, v2;
	v13 =	vld [tilespmem:s13+$0x50]  }
.Ltmp0:
0x6a: {  	[tilespmem:v11+s19+$0x0] =	vst.idx.msk $0xffff, v10;
	v9 =	vld [tilespmem:s13+$0x70];
	v11 =	vor.u32 s15, v1;
	(pc) =	sbr.rel @p1 .LBB2_3-.Ltmp0, $4  }
0x6b: {  	v10 =	vor.u32 s3, v1;
	[tilespmem:v12+s19+$0x0] =	vst.idx.msk $0xffff, v7;
	v7 =	vld [tilespmem:s13+$0x90]  }
0x6c: {  	[tilespmem:v8+s19+$0x0] =	vst.idx.msk $0xffff, v3;
	v3 =	vld [tilespmem:s13+$0xB0];
	v8 =	vor.u32 s5, v1  }
0x6d: {  	[tilespmem:v5+s19+$0x0] =	vst.idx.msk $0xffff, v4;
	v4 =	vld [tilespmem:s13+$0xD0];
	v5 =	vor.u32 s18, v1  }
0x6e: {  	s14 =	sadd.s32 $0x10, s14;
	s21 =	sadd.s32 $0xF, s8;
	v6 =	vor.u32 s30, v1;
	v2 =	vld [tilespmem:s13+$0xFFFFFF10];
	[tilespmem:v14+s19+$0x0] =	vst.idx.msk $0xffff, v13;
	s13 =	sadd.s32 $0x200, s13  }
0x6f: {  	_ =	sdelay $0x3  }
0x70: {  	v12 =	vld [tilespmem:s13+$0xE0];
	v13 =	vor.u32 s21, v0;
	[tilespmem:v11+s19+$0x0] =	vst.idx.msk $0xffff, v9  }
0x71: {  	s3 =	sadd.s32 $0x1, s8;
	v37 =	vld [tilespmem:s13+$0xFFFFFF00];
	v38 =	vor.u32 s8, v0;
	[tilespmem:v10+s19+$0x0] =	vst.idx.msk $0xffff, v7  }
0x72: {  	v63 =	vld [tilespmem:s13+$0xFFFFFF20];
	s5 =	sadd.s32 $0x2, s8;
	v14 =	vor.u32 s3, v0;
	[tilespmem:v8+s19+$0x0] =	vst.idx.msk $0xffff, v3  }
0x73: {  	v15 =	vld [tilespmem:s13+$0xFFFFFF40];
	s14 =	sadd.s32 $0x4, s8;
	v16 =	vor.u32 s5, v0;
	[tilespmem:v5+s19+$0x0] =	vst.idx.msk $0xffff, v4  }
0x74: {  	v18 =	vld [tilespmem:s13+$0xFFFFFF80];
	s16 =	sadd.s32 $0x6, s8;
	v19 =	vor.u32 s14, v0;
	[tilespmem:v6+s19+$0x0] =	vst.idx.msk $0xffff, v2  }
0x75: {  	s12 =	sadd.s32 $0x3, s8;
	v23 =	vld [tilespmem:s13+$0xFFFFFFC0];
	v24 =	vor.u32 s16, v0;
	[tilespmem:v13+s19+$0x0] =	vst.idx.msk $0xffff, v12  }
0x76: {  	s18 =	sadd.s32 $0x8, s8;
	v17 =	vor.u32 s12, v0;
	v3 =	vld [tilespmem:s13+$0xFFFFFF60];
	[tilespmem:v38+s19+$0x0] =	vst.idx.msk $0xffff, v37  }
0x77: {  	v26 =	vld [tilespmem:s13+$0x0];
	s30 =	sadd.s32 $0xA, s8;
	v27 =	vor.u32 s18, v0;
	[tilespmem:v14+s19+$0x0] =	vst.idx.msk $0xffff, v63  }
0x78: {  	v29 =	vld [tilespmem:s13+$0x40];
	s22 =	sadd.s32 $0xB, s8;
	v30 =	vor.u32 s30, v0;
	[tilespmem:v16+s19+$0x0] =	vst.idx.msk $0xffff, v15  }
0x79: {  	s15 =	sadd.s32 $0x5, s8;
	v31 =	vld [tilespmem:s13+$0x60];
	v32 =	vor.u32 s22, v0;
	[tilespmem:v19+s19+$0x0] =	vst.idx.msk $0xffff, v18  }
0x7a: {  	s17 =	sadd.s32 $0x7, s8;
	v20 =	vor.u32 s15, v0;
	v2 =	vld [tilespmem:s13+$0xFFFFFFA0];
	[tilespmem:v24+s19+$0x0] =	vst.idx.msk $0xffff, v23  }
0x7b: {  	s28 =	sadd.s32 $0xD, s8;
	v25 =	vor.u32 s17, v0;
	[tilespmem:v17+s19+$0x0] =	vst.idx.msk $0xffff, v3;
	v3 =	vld [tilespmem:s13+$0xFFFFFFE0]  }
0x7c: {  	v34 =	vld [tilespmem:s13+$0xA0];
	v35 =	vor.u32 s28, v0;
	[tilespmem:v27+s19+$0x0] =	vst.idx.msk $0xffff, v26  }
0x7d: {  	v22 =	vor.u32 s21, v1;
	v21 =	vld [tilespmem:s13+$0xF0];
	[tilespmem:v30+s19+$0x0] =	vst.idx.msk $0xffff, v29  }
0x7e: {  	s20 =	sadd.s32 $0x9, s8;
	[tilespmem:v32+s19+$0x0] =	vst.idx.msk $0xffff, v31;
	v62 =	vld [tilespmem:s13+$0xFFFFFF10];
	v63 =	vor.u32 s8, v1  }
0x7f: {  	s26 =	sadd.s32 $0xC, s8;
	v28 =	vor.u32 s20, v0;
	[tilespmem:v20+s19+$0x0] =	vst.idx.msk $0xffff, v2;
	v2 =	vld [tilespmem:s13+$0x20]  }
0x80: {  	v33 =	vor.u32 s26, v0;
	[tilespmem:v25+s19+$0x0] =	vst.idx.msk $0xffff, v3;
	v3 =	vld [tilespmem:s13+$0x80]  }
0x81: {  	v39 =	vor.u32 s3, v1;
	[tilespmem:v35+s19+$0x0] =	vst.idx.msk $0xffff, v34;
	v40 =	vld [tilespmem:s13+$0xFFFFFF30]  }
0x82: {  	v41 =	vor.u32 s5, v1;
	v42 =	vld [tilespmem:s13+$0xFFFFFF50];
	[tilespmem:v22+s19+$0x0] =	vst.idx.msk $0xffff, v21  }
0x83: {  	s29 =	sadd.s32 $0xE, s8;
	v44 =	vor.u32 s14, v1;
	v45 =	vld [tilespmem:s13+$0xFFFFFF90];
	[tilespmem:v63+s19+$0x0] =	vst.idx.msk $0xffff, v62  }
0x84: {  	v36 =	vor.u32 s29, v0;
	[tilespmem:v28+s19+$0x0] =	vst.idx.msk $0xffff, v2;
	v2 =	vld [tilespmem:s13+$0xC0]  }
0x85: {  	v43 =	vld [tilespmem:s13+$0xFFFFFF70];
	[tilespmem:v33+s19+$0x0] =	vst.idx.msk $0xffff, v3;
	v3 =	vor.u32 s12, v1  }
0x86: {  	v47 =	vor.u32 s16, v1;
	v48 =	vld [tilespmem:s13+$0xFFFFFFD0];
	[tilespmem:v39+s19+$0x0] =	vst.idx.msk $0xffff, v40  }
0x87: {  	v55 =	vor.u32 s22, v1;
	v56 =	vld [tilespmem:s13+$0x70];
	[tilespmem:v41+s19+$0x0] =	vst.idx.msk $0xffff, v42  }
0x88: {  	v49 =	vor.u32 s17, v1;
	[tilespmem:v44+s19+$0x0] =	vst.idx.msk $0xffff, v45;
	v50 =	vld [tilespmem:s13+$0xFFFFFFF0]  }
0x89: {  	v46 =	vld [tilespmem:s13+$0xFFFFFFB0];
	[tilespmem:v36+s19+$0x0] =	vst.idx.msk $0xffff, v2;
	v2 =	vor.u32 s15, v1  }
0x8a: {  	v51 =	vor.u32 s18, v1;
	[tilespmem:v3+s19+$0x0] =	vst.idx.msk $0xffff, v43;
	v3 =	vld [tilespmem:s13+$0x10]  }
0x8b: {  	v52 =	vor.u32 s20, v1;
	[tilespmem:v47+s19+$0x0] =	vst.idx.msk $0xffff, v48;
	v53 =	vld [tilespmem:s13+$0x30]  }
0x8c: {  	v57 =	vor.u32 s26, v1;
	[tilespmem:v55+s19+$0x0] =	vst.idx.msk $0xffff, v56;
	v58 =	vld [tilespmem:s13+$0x90]  }
0x8d: {  	v60 =	vor.u32 s29, v1;
	[tilespmem:v49+s19+$0x0] =	vst.idx.msk $0xffff, v50;
	v61 =	vld [tilespmem:s13+$0xD0]  }
0x8e: {  	v54 =	vor.u32 s30, v1;
	[tilespmem:v2+s19+$0x0] =	vst.idx.msk $0xffff, v46;
	v2 =	vld [tilespmem:s13+$0x50]  }
0x8f: {  	v59 =	vor.u32 s28, v1;
	s18 =	sadd.s32 s2, s7;
	[tilespmem:v51+s19+$0x0] =	vst.idx.msk $0xffff, v3;
	v3 =	vld [tilespmem:s13+$0xB0]  }
0x90: {  	s20 =	sshll.u32 s18, $0x2;
	[tilespmem:v52+s19+$0x0] =	vst.idx.msk $0xffff, v53  }
0x91: {  	s3 =	sand.u32 $0x7E, s18;
	s5 =	sand.u32 $0x3FFE00, s20;
	[tilespmem:v57+s19+$0x0] =	vst.idx.msk $0xffff, v58  }
0x92: {  	s3 =	sor.u32 s3, s5;
	[tilespmem:v60+s19+$0x0] =	vst.idx.msk $0xffff, v61  }
0x93: {  	s3 =	sshll.u32 s3, $0x7;
	[tilespmem:v54+s19+$0x0] =	vst.idx.msk $0xffff, v2  }
0x94: {  	s21 =	sadd.s32 s6, s3;
	[tilespmem:v59+s19+$0x0] =	vst.idx.msk $0xffff, v3  }
0x95: {  	[hbm4b:s21+s4] =	stream.linear.scatter [tilespmem:s19], [sflag:$0x3], $0x400, $0x38;
	[tilespmem:$0x10000] =	vst v63  }
0x96: {  	p1 =	sne.s32 s1, $0x63;
	s26 =	simm.s32 $0xE400;
	s22 =	sadd.s32 s3, s9  }
0x97: {  	[hbm4b:s22+s4] =	stream.linear.scatter [tilespmem:s26], [sflag:$0x3], $0x400, $0x38;
	[tilespmem:$0x10000] =	vst v63  }
.Ltmp1:
0x98: {  	_ = 	snop;
	(pc) =	sbr.rel @p1 .LBB2_6-.Ltmp1, $4  }
0x99: {  	s29 =	simm.s32 $0xE800;
	s28 =	sadd.s32 s3, s10  }
0x9a: {  	[hbm4b:s28+s4] =	stream.linear.scatter [tilespmem:s29], [sflag:$0x3], $0x400, $0x38;
	[tilespmem:$0x10000] =	vst v63  }
0x9b: {  	s31 =	smov.u32 s6;
	s30 =	simm.s32 $0xEC00;
	s3 =	sadd.s32 s3, s11  }
0x9c: {  	[hbm4b:s3+s4] =	stream.linear.scatter [tilespmem:s30], [sflag:$0x3], $0x400, $0x38;
	[tilespmem:$0x10000] =	vst v63  }
.Ltmp2:
0x9d: {  	(pc) =	sbr.rel .LBB2_7-.Ltmp2, $4  }
0x9e: {  	_ = 	snop  }
0x9f: {  	_ =	swait.ge [sflag:s23], $0x1000  }
0xa0: {  	[sflag:s23] =	ssyncset.done $0x0  }
0xa1: {  	[sflag:s23] =	ssyncadd.s32 $0xFFFFF000  }
.LBB2_6:
0xa2: {  	s3 =	rddreg [dreg:$0x7]  }
0xa3: {  	s3 =	sadd.s32 s7, s3  }
0xa4: {  	s6 =	rddreg [dreg:$0x3];
	s5 =	sshrl.u32 s3, $0x7  }
0xa5: {  	s5 =	ssub.s32 s5, s6  }
0xa6: {  	s28 =	rddreg [dreg:$0x4];
	s3 =	sshll.u32 s3, $0x7;
	s5 =	sshll.u32 s5, $0x10  }
0xa7: {  	s29 =	simm.s32 $0x80;
	s3 =	sand.u32 $0x3F00, s3;
	s5 =	sshra.s32 s5, $0x2  }
.Ltmp3:
0xa8: {  	s30 =	simm.s32 $0xC000;
	s3 =	sor.u32 s3, s5;
	(pc) =	sbr.rel @p0 .LBB2_8-.Ltmp3, $4  }
0xa9: {  	[tilespmem:s30], [sflag:$0x1] =	stream.indirect.gather [hbm4b:s28+s29], $0x20, s3, s29, $0xb8;
	[tilespmem:$0x10000] =	vst v63  }
0xaa: {  	_ =	swait.ge [sflag:s23], $0x1000  }
0xab: {  	[sflag:s23] =	ssyncset.done $0x0  }
0xac: {  	[sflag:s23] =	ssyncadd.s32 $0xFFFFF000  }
.LBB2_7:
0xad: {  	_ =	swait.ge [sflag:s24], $0x400  }
0xae: {  	[sflag:s24] =	ssyncset.done $0x0  }
0xaf: {  	[sflag:s24] =	ssyncadd.s32 $0xFFFFFC00  }
0xb0: {  	_ =	swait.ge [sflag:s24], $0x400  }
0xb1: {  	[sflag:s24] =	ssyncset.done $0x0  }
0xb2: {  	[sflag:s24] =	ssyncadd.s32 $0xFFFFFC00  }
0xb3: {  	_ =	swait.ge [sflag:s24], $0x400  }
0xb4: {  	[sflag:s24] =	ssyncset.done $0x0  }
0xb5: {  	[sflag:s24] =	ssyncadd.s32 $0xFFFFFC00  }
0xb6: {  	_ =	swait.ge [sflag:s24], $0x400  }
0xb7: {  	[sflag:s24] =	ssyncset.done $0x0  }
0xb8: {  	[sflag:s24] =	ssyncadd.s32 $0xFFFFFC00  }
.LBB2_8:
0xb9: {  	s8 =	simm.s32 $0xD100;
	s3 =	simm.s32 $0xF  }
0xba: {  	s5 =	simm.s32 $0x1;
	v2 =	vld [tilespmem:s8+$0xE0];
	v3 =	vor.u32 s3, v0  }
0xbb: {  	s7 =	simm.s32 $0x2;
	v4 =	vld [tilespmem:s8+$0xFFFFFF20];
	v5 =	vor.u32 s5, v0  }
0xbc: {  	s12 =	simm.s32 $0x3;
	v6 =	vld [tilespmem:s8+$0xFFFFFF40];
	v7 =	vor.u32 s7, v0  }
0xbd: {  	s13 =	simm.s32 $0x4;
	v8 =	vld [tilespmem:s8+$0xFFFFFF60];
	v9 =	vor.u32 s12, v0  }
0xbe: {  	s14 =	simm.s32 $0x5;
	v10 =	vld [tilespmem:s8+$0xFFFFFF80];
	v11 =	vor.u32 s13, v0  }
0xbf: {  	s18 =	simm.s32 $0xA;
	v12 =	vld [tilespmem:s8+$0xFFFFFFA0];
	v13 =	vor.u32 s14, v0;
	[tilespmem:v3+s25+$0x0] =	vst.idx.msk $0xffff, v2  }
0xc0: {  	s15 =	simm.s32 $0x6;
	v58 =	vld [tilespmem:s8+$0x40];
	v59 =	vor.u32 s18, v0;
	[tilespmem:v5+s25+$0x0] =	vst.idx.msk $0xffff, v4  }
0xc1: {  	s30 =	simm.s32 $0x7;
	[tilespmem:v7+s25+$0x0] =	vst.idx.msk $0xffff, v6;
	v4 =	vld [tilespmem:s8+$0xFFFFFFC0];
	v5 =	vor.u32 s15, v0  }
0xc2: {  	[tilespmem:v9+s25+$0x0] =	vst.idx.msk $0xffff, v8;
	v6 =	vld [tilespmem:s8+$0xFFFFFFE0];
	v7 =	vor.u32 s30, v0  }
0xc3: {  	s16 =	simm.s32 $0x8;
	v3 =	vor.u32 s3, v1;
	[tilespmem:v11+s25+$0x0] =	vst.idx.msk $0xffff, v10;
	v2 =	vld [tilespmem:s8+$0xF0]  }
0xc4: {  	s17 =	simm.s32 $0x9;
	v8 =	vld [tilespmem:s8+$0x0];
	v9 =	vor.u32 s16, v0;
	[tilespmem:v13+s25+$0x0] =	vst.idx.msk $0xffff, v12  }
0xc5: {  	v10 =	vld [tilespmem:s8+$0x20];
	v11 =	vor.u32 s17, v0;
	[tilespmem:v59+s25+$0x0] =	vst.idx.msk $0xffff, v58  }
0xc6: {  	s21 =	simm.s32 $0xC;
	v61 =	vor.u32 s5, v1;
	v60 =	vld [tilespmem:s8+$0xFFFFFF30];
	[tilespmem:v5+s25+$0x0] =	vst.idx.msk $0xffff, v4  }
0xc7: {  	s20 =	simm.s32 $0xB;
	[tilespmem:v7+s25+$0x0] =	vst.idx.msk $0xffff, v6;
	v4 =	vld [tilespmem:s8+$0x80];
	v5 =	vor.u32 s21, v0  }
0xc8: {  	s22 =	simm.s32 $0xD;
	[tilespmem:v3+s25+$0x0] =	vst.idx.msk $0xffff, v2;
	v2 =	vld [tilespmem:s8+$0x60];
	v3 =	vor.u32 s20, v0  }
0xc9: {  	s26 =	simm.s32 $0xE;
	[tilespmem:v9+s25+$0x0] =	vst.idx.msk $0xffff, v8;
	v6 =	vld [tilespmem:s8+$0xA0];
	v7 =	vor.u32 s22, v0  }
0xca: {  	s28 =	simm.s32 $0x0;
	[tilespmem:v11+s25+$0x0] =	vst.idx.msk $0xffff, v10;
	v8 =	vld [tilespmem:s8+$0xC0];
	v9 =	vor.u32 s26, v0  }
0xcb: {  	v10 =	vld [tilespmem:s8+$0xFFFFFF00];
	v11 =	vor.u32 s28, v0;
	[tilespmem:v61+s25+$0x0] =	vst.idx.msk $0xffff, v60  }
0xcc: {  	[tilespmem:v5+s25+$0x0] =	vst.idx.msk $0xffff, v4;
	v4 =	vld [tilespmem:s8+$0xFFFFFF70];
	v5 =	vor.u32 s12, v1  }
0xcd: {  	[tilespmem:v3+s25+$0x0] =	vst.idx.msk $0xffff, v2;
	v2 =	vld [tilespmem:s8+$0xFFFFFF50];
	v3 =	vor.u32 s7, v1  }
0xce: {  	[tilespmem:v7+s25+$0x0] =	vst.idx.msk $0xffff, v6;
	v6 =	vld [tilespmem:s8+$0xFFFFFF90];
	v7 =	vor.u32 s13, v1  }
0xcf: {  	[tilespmem:v9+s25+$0x0] =	vst.idx.msk $0xffff, v8;
	v8 =	vld [tilespmem:s8+$0xFFFFFFB0];
	v9 =	vor.u32 s14, v1  }
0xd0: {  	[tilespmem:v11+s25+$0x0] =	vst.idx.msk $0xffff, v10;
	v10 =	vld [tilespmem:s8+$0xFFFFFFD0];
	v11 =	vor.u32 s15, v1  }
0xd1: {  	v14 =	vor.u32 s18, v1;
	v63 =	vld [tilespmem:s8+$0x50];
	[tilespmem:v5+s25+$0x0] =	vst.idx.msk $0xffff, v4  }
0xd2: {  	[tilespmem:v3+s25+$0x0] =	vst.idx.msk $0xffff, v2;
	v2 =	vld [tilespmem:s8+$0xFFFFFFF0];
	v3 =	vor.u32 s30, v1  }
0xd3: {  	v4 =	vld [tilespmem:s8+$0x10];
	v5 =	vor.u32 s16, v1;
	[tilespmem:v7+s25+$0x0] =	vst.idx.msk $0xffff, v6  }
0xd4: {  	v62 =	vor.u32 s17, v1;
	v6 =	vld [tilespmem:s8+$0x30];
	[tilespmem:v9+s25+$0x0] =	vst.idx.msk $0xffff, v8  }
0xd5: {  	[tilespmem:v11+s25+$0x0] =	vst.idx.msk $0xffff, v10;
	v9 =	vld [tilespmem:s8+$0x70];
	v11 =	vor.u32 s20, v1  }
0xd6: {  	[tilespmem:v14+s25+$0x0] =	vst.idx.msk $0xffff, v63;
	v7 =	vld [tilespmem:s8+$0x90];
	v10 =	vor.u32 s21, v1  }
0xd7: {  	v8 =	vor.u32 s22, v1;
	[tilespmem:v3+s25+$0x0] =	vst.idx.msk $0xffff, v2;
	v2 =	vld [tilespmem:s8+$0xB0]  }
0xd8: {  	s13 =	simm.s32 $0x20;
	[tilespmem:v5+s25+$0x0] =	vst.idx.msk $0xffff, v4;
	v5 =	vor.u32 s26, v1;
	v3 =	vld [tilespmem:s8+$0xD0]  }
0xd9: {  	s7 =	simm.s32 $0x10;
	s21 =	simm.s32 $0x1F;
	[tilespmem:v62+s25+$0x0] =	vst.idx.msk $0xffff, v6;
	v4 =	vld [tilespmem:s8+$0xFFFFFF10];
	v6 =	vor.u32 s28, v1;
	s8 =	simm.s32 $0xD300  }
.LBB2_9:
0xda: {  	p0 =	slt.u32 s13, $0x70;
	s30 =	sadd.s32 $0x1, s7;
	v12 =	vld [tilespmem:s8+$0xE0];
	v13 =	vor.u32 s21, v0;
	[tilespmem:v11+s25+$0x0] =	vst.idx.msk $0xffff, v9;
	s14 =	smov.u32 s7  }
0xdb: {  	s7 =	smov.u32 s13;
	v9 =	vld [tilespmem:s8+$0xFFFFFF20];
	v11 =	vor.u32 s30, v0;
	s16 =	sadd.s32 $0x2, s14;
	[tilespmem:v10+s25+$0x0] =	vst.idx.msk $0xffff, v7  }
0xdc: {  	s12 =	sadd.s32 $0x3, s14;
	v7 =	vld [tilespmem:s8+$0xFFFFFF40];
	v10 =	vor.u32 s16, v0;
	[tilespmem:v8+s25+$0x0] =	vst.idx.msk $0xffff, v2  }
0xdd: {  	s17 =	sadd.s32 $0x4, s14;
	v8 =	vor.u32 s12, v0;
	v2 =	vld [tilespmem:s8+$0xFFFFFF60];
	[tilespmem:v5+s25+$0x0] =	vst.idx.msk $0xffff, v3  }
0xde: {  	s20 =	sadd.s32 $0x5, s14;
	v5 =	vor.u32 s17, v0;
	v3 =	vld [tilespmem:s8+$0xFFFFFF80];
	[tilespmem:v6+s25+$0x0] =	vst.idx.msk $0xffff, v4  }
0xdf: {  	v6 =	vor.u32 s20, v0;
	v4 =	vld [tilespmem:s8+$0xFFFFFFA0];
	[tilespmem:v13+s25+$0x0] =	vst.idx.msk $0xffff, v12  }
0xe0: {  	s22 =	sadd.s32 $0x6, s14;
	[tilespmem:v11+s25+$0x0] =	vst.idx.msk $0xffff, v9;
	v9 =	vld [tilespmem:s8+$0xF0];
	v11 =	vor.u32 s21, v1  }
0xe1: {  	s21 =	sadd.s32 $0x7, s14;
	[tilespmem:v10+s25+$0x0] =	vst.idx.msk $0xffff, v7;
	v7 =	vld [tilespmem:s8+$0xFFFFFFC0];
	v10 =	vor.u32 s22, v0  }
0xe2: {  	s26 =	sadd.s32 $0x8, s14;
	[tilespmem:v8+s25+$0x0] =	vst.idx.msk $0xffff, v2;
	v2 =	vld [tilespmem:s8+$0xFFFFFFE0];
	v8 =	vor.u32 s21, v0  }
0xe3: {  	s28 =	sadd.s32 $0x9, s14;
	[tilespmem:v5+s25+$0x0] =	vst.idx.msk $0xffff, v3;
	v3 =	vld [tilespmem:s8+$0x0];
	v5 =	vor.u32 s26, v0  }
0xe4: {  	s15 =	sadd.s32 $0xA, s14;
	[tilespmem:v6+s25+$0x0] =	vst.idx.msk $0xffff, v4;
	v4 =	vld [tilespmem:s8+$0x20];
	v6 =	vor.u32 s28, v0  }
0xe5: {  	s29 =	sadd.s32 $0xB, s14;
	v13 =	vor.u32 s15, v0;
	v12 =	vld [tilespmem:s8+$0x40];
	[tilespmem:v11+s25+$0x0] =	vst.idx.msk $0xffff, v9  }
0xe6: {  	s3 =	sadd.s32 $0xC, s14;
	v9 =	vor.u32 s29, v0;
	[tilespmem:v10+s25+$0x0] =	vst.idx.msk $0xffff, v7;
	v7 =	vld [tilespmem:s8+$0x60]  }
0xe7: {  	s5 =	sadd.s32 $0xD, s14;
	[tilespmem:v8+s25+$0x0] =	vst.idx.msk $0xffff, v2;
	v2 =	vld [tilespmem:s8+$0x80];
	v8 =	vor.u32 s3, v0  }
0xe8: {  	s18 =	sadd.s32 $0xE, s14;
	[tilespmem:v5+s25+$0x0] =	vst.idx.msk $0xffff, v3;
	v3 =	vld [tilespmem:s8+$0xA0];
	v5 =	vor.u32 s5, v0  }
0xe9: {  	[tilespmem:v6+s25+$0x0] =	vst.idx.msk $0xffff, v4;
	v4 =	vld [tilespmem:s8+$0xC0];
	v6 =	vor.u32 s18, v0  }
0xea: {  	v11 =	vor.u32 s14, v0;
	v10 =	vld [tilespmem:s8+$0xFFFFFF00];
	[tilespmem:v13+s25+$0x0] =	vst.idx.msk $0xffff, v12  }
0xeb: {  	v13 =	vor.u32 s30, v1;
	v12 =	vld [tilespmem:s8+$0xFFFFFF30];
	[tilespmem:v9+s25+$0x0] =	vst.idx.msk $0xffff, v7  }
0xec: {  	v9 =	vor.u32 s16, v1;
	v7 =	vld [tilespmem:s8+$0xFFFFFF50];
	[tilespmem:v8+s25+$0x0] =	vst.idx.msk $0xffff, v2  }
0xed: {  	v8 =	vor.u32 s12, v1;
	v2 =	vld [tilespmem:s8+$0xFFFFFF70];
	[tilespmem:v5+s25+$0x0] =	vst.idx.msk $0xffff, v3  }
0xee: {  	v5 =	vor.u32 s17, v1;
	v3 =	vld [tilespmem:s8+$0xFFFFFF90];
	[tilespmem:v6+s25+$0x0] =	vst.idx.msk $0xffff, v4  }
0xef: {  	v6 =	vor.u32 s20, v1;
	[tilespmem:v11+s25+$0x0] =	vst.idx.msk $0xffff, v10;
	v4 =	vld [tilespmem:s8+$0xFFFFFFB0]  }
0xf0: {  	v11 =	vor.u32 s22, v1;
	[tilespmem:v13+s25+$0x0] =	vst.idx.msk $0xffff, v12;
	v10 =	vld [tilespmem:s8+$0xFFFFFFD0]  }
0xf1: {  	v12 =	vor.u32 s21, v1;
	[tilespmem:v9+s25+$0x0] =	vst.idx.msk $0xffff, v7;
	v7 =	vld [tilespmem:s8+$0xFFFFFFF0]  }
0xf2: {  	[tilespmem:v8+s25+$0x0] =	vst.idx.msk $0xffff, v2;
	v2 =	vld [tilespmem:s8+$0x10];
	v8 =	vor.u32 s26, v1  }
0xf3: {  	[tilespmem:v5+s25+$0x0] =	vst.idx.msk $0xffff, v3;
	v3 =	vld [tilespmem:s8+$0x30];
	v5 =	vor.u32 s28, v1  }
0xf4: {  	v14 =	vor.u32 s15, v1;
	[tilespmem:v6+s25+$0x0] =	vst.idx.msk $0xffff, v4;
	v13 =	vld [tilespmem:s8+$0x50]  }
.Ltmp4:
0xf5: {  	[tilespmem:v11+s25+$0x0] =	vst.idx.msk $0xffff, v10;
	v9 =	vld [tilespmem:s8+$0x70];
	v11 =	vor.u32 s29, v1;
	(pc) =	sbr.rel @p0 .LBB2_9-.Ltmp4, $4  }
0xf6: {  	v10 =	vor.u32 s3, v1;
	[tilespmem:v12+s25+$0x0] =	vst.idx.msk $0xffff, v7;
	v7 =	vld [tilespmem:s8+$0x90]  }
0xf7: {  	[tilespmem:v8+s25+$0x0] =	vst.idx.msk $0xffff, v2;
	v2 =	vld [tilespmem:s8+$0xB0];
	v8 =	vor.u32 s5, v1  }
0xf8: {  	[tilespmem:v5+s25+$0x0] =	vst.idx.msk $0xffff, v3;
	v3 =	vld [tilespmem:s8+$0xD0];
	v5 =	vor.u32 s18, v1  }
0xf9: {  	s13 =	sadd.s32 $0x10, s13;
	s21 =	sadd.s32 $0xF, s7;
	v6 =	vor.u32 s14, v1;
	v4 =	vld [tilespmem:s8+$0xFFFFFF10];
	[tilespmem:v14+s25+$0x0] =	vst.idx.msk $0xffff, v13;
	s8 =	sadd.s32 $0x200, s8  }
0xfa: {  	_ =	sdelay $0x3  }
0xfb: {  	v12 =	vld [tilespmem:s8+$0xE0];
	v13 =	vor.u32 s21, v0;
	[tilespmem:v11+s25+$0x0] =	vst.idx.msk $0xffff, v9  }
0xfc: {  	s3 =	sadd.s32 $0x1, s7;
	v38 =	vld [tilespmem:s8+$0xFFFFFF00];
	v39 =	vor.u32 s7, v0;
	[tilespmem:v10+s25+$0x0] =	vst.idx.msk $0xffff, v7  }
0xfd: {  	v14 =	vld [tilespmem:s8+$0xFFFFFF20];
	s5 =	sadd.s32 $0x2, s7;
	v15 =	vor.u32 s3, v0;
	[tilespmem:v8+s25+$0x0] =	vst.idx.msk $0xffff, v2  }
0xfe: {  	v16 =	vld [tilespmem:s8+$0xFFFFFF40];
	s14 =	sadd.s32 $0x5, s7;
	v17 =	vor.u32 s5, v0;
	[tilespmem:v5+s25+$0x0] =	vst.idx.msk $0xffff, v3  }
0xff: {  	s12 =	sadd.s32 $0x3, s7;
	v20 =	vld [tilespmem:s8+$0xFFFFFFA0];
	v21 =	vor.u32 s14, v0;
	[tilespmem:v6+s25+$0x0] =	vst.idx.msk $0xffff, v4  }
0x100: {  	s13 =	sadd.s32 $0x4, s7;
	v18 =	vor.u32 s12, v0;
	v2 =	vld [tilespmem:s8+$0xFFFFFF60];
	[tilespmem:v13+s25+$0x0] =	vst.idx.msk $0xffff, v12  }
0x101: {  	s15 =	sadd.s32 $0x6, s7;
	v19 =	vor.u32 s13, v0;
	v3 =	vld [tilespmem:s8+$0xFFFFFF80];
	[tilespmem:v39+s25+$0x0] =	vst.idx.msk $0xffff, v38  }
0x102: {  	v24 =	vld [tilespmem:s8+$0xFFFFFFC0];
	s18 =	sadd.s32 $0x9, s7;
	v25 =	vor.u32 s15, v0;
	[tilespmem:v15+s25+$0x0] =	vst.idx.msk $0xffff, v14  }
0x103: {  	v28 =	vld [tilespmem:s8+$0x20];
	s20 =	sadd.s32 $0xA, s7;
	v29 =	vor.u32 s18, v0;
	[tilespmem:v17+s25+$0x0] =	vst.idx.msk $0xffff, v16  }
0x104: {  	s16 =	sadd.s32 $0x7, s7;
	v30 =	vld [tilespmem:s8+$0x40];
	v31 =	vor.u32 s20, v0;
	[tilespmem:v21+s25+$0x0] =	vst.idx.msk $0xffff, v20  }
0x105: {  	s17 =	sadd.s32 $0x8, s7;
	v26 =	vor.u32 s16, v0;
	[tilespmem:v18+s25+$0x0] =	vst.idx.msk $0xffff, v2;
	v2 =	vld [tilespmem:s8+$0xFFFFFFE0]  }
0x106: {  	s6 =	sadd.s32 $0xB, s7;
	v27 =	vor.u32 s17, v0;
	[tilespmem:v19+s25+$0x0] =	vst.idx.msk $0xffff, v3;
	v3 =	vld [tilespmem:s8+$0x0]  }
0x107: {  	v32 =	vld [tilespmem:s8+$0x60];
	s28 =	sadd.s32 $0xE, s7;
	v33 =	vor.u32 s6, v0;
	[tilespmem:v25+s25+$0x0] =	vst.idx.msk $0xffff, v24  }
0x108: {  	v36 =	vld [tilespmem:s8+$0xC0];
	v37 =	vor.u32 s28, v0;
	[tilespmem:v29+s25+$0x0] =	vst.idx.msk $0xffff, v28  }
0x109: {  	v23 =	vor.u32 s21, v1;
	s22 =	sadd.s32 $0xC, s7;
	v22 =	vld [tilespmem:s8+$0xF0];
	[tilespmem:v31+s25+$0x0] =	vst.idx.msk $0xffff, v30  }
0x10a: {  	s26 =	sadd.s32 $0xD, s7;
	v34 =	vor.u32 s22, v0;
	[tilespmem:v26+s25+$0x0] =	vst.idx.msk $0xffff, v2;
	v2 =	vld [tilespmem:s8+$0x80]  }
0x10b: {  	v35 =	vor.u32 s26, v0;
	[tilespmem:v27+s25+$0x0] =	vst.idx.msk $0xffff, v3;
	v3 =	vld [tilespmem:s8+$0xA0]  }
0x10c: {  	v63 =	vor.u32 s7, v1;
	[tilespmem:v33+s25+$0x0] =	vst.idx.msk $0xffff, v32;
	v62 =	vld [tilespmem:s8+$0xFFFFFF10]  }
0x10d: {  	v40 =	vor.u32 s3, v1;
	[tilespmem:v37+s25+$0x0] =	vst.idx.msk $0xffff, v36;
	v41 =	vld [tilespmem:s8+$0xFFFFFF30]  }
0x10e: {  	v42 =	vor.u32 s5, v1;
	v43 =	vld [tilespmem:s8+$0xFFFFFF50];
	[tilespmem:v23+s25+$0x0] =	vst.idx.msk $0xffff, v22  }
0x10f: {  	v44 =	vld [tilespmem:s8+$0xFFFFFF70];
	[tilespmem:v34+s25+$0x0] =	vst.idx.msk $0xffff, v2;
	v2 =	vor.u32 s12, v1  }
0x110: {  	v45 =	vld [tilespmem:s8+$0xFFFFFF90];
	[tilespmem:v35+s25+$0x0] =	vst.idx.msk $0xffff, v3;
	v3 =	vor.u32 s13, v1  }
0x111: {  	v46 =	vor.u32 s14, v1;
	v47 =	vld [tilespmem:s8+$0xFFFFFFB0];
	[tilespmem:v63+s25+$0x0] =	vst.idx.msk $0xffff, v62  }
0x112: {  	v48 =	vor.u32 s15, v1;
	v49 =	vld [tilespmem:s8+$0xFFFFFFD0];
	[tilespmem:v40+s25+$0x0] =	vst.idx.msk $0xffff, v41  }
0x113: {  	v54 =	vor.u32 s20, v1;
	v55 =	vld [tilespmem:s8+$0x50];
	[tilespmem:v42+s25+$0x0] =	vst.idx.msk $0xffff, v43  }
0x114: {  	v52 =	vor.u32 s17, v1;
	[tilespmem:v2+s25+$0x0] =	vst.idx.msk $0xffff, v44;
	v2 =	vld [tilespmem:s8+$0x10]  }
0x115: {  	v53 =	vor.u32 s18, v1;
	[tilespmem:v3+s25+$0x0] =	vst.idx.msk $0xffff, v45;
	v3 =	vld [tilespmem:s8+$0x30]  }
0x116: {  	v56 =	vor.u32 s6, v1;
	v57 =	vld [tilespmem:s8+$0x70];
	[tilespmem:v46+s25+$0x0] =	vst.idx.msk $0xffff, v47  }
0x117: {  	v50 =	vor.u32 s16, v1;
	[tilespmem:v48+s25+$0x0] =	vst.idx.msk $0xffff, v49;
	v51 =	vld [tilespmem:s8+$0xFFFFFFF0]  }
0x118: {  	v58 =	vor.u32 s22, v1;
	[tilespmem:v54+s25+$0x0] =	vst.idx.msk $0xffff, v55;
	v59 =	vld [tilespmem:s8+$0x90]  }
0x119: {  	v60 =	vor.u32 s26, v1;
	[tilespmem:v52+s25+$0x0] =	vst.idx.msk $0xffff, v2;
	v2 =	vld [tilespmem:s8+$0xB0]  }
0x11a: {  	v61 =	vor.u32 s28, v1;
	[tilespmem:v53+s25+$0x0] =	vst.idx.msk $0xffff, v3;
	v3 =	vld [tilespmem:s8+$0xD0]  }
0x11b: {  	s18 =	sshll.u32 s0, $0x2;
	[tilespmem:v56+s25+$0x0] =	vst.idx.msk $0xffff, v57  }
0x11c: {  	s20 =	sand.u32 $0x7F, s0;
	s3 =	sand.u32 $0x3FFE00, s18;
	[tilespmem:v50+s25+$0x0] =	vst.idx.msk $0xffff, v51  }
0x11d: {  	s0 =	sor.u32 s20, s3;
	[tilespmem:v58+s25+$0x0] =	vst.idx.msk $0xffff, v59  }
0x11e: {  	s0 =	sshll.u32 s0, $0x7;
	[tilespmem:v60+s25+$0x0] =	vst.idx.msk $0xffff, v2  }
0x11f: {  	s1 =	sadd.s32 $0x1, s1;
	s21 =	sadd.s32 s31, s0;
	[tilespmem:v61+s25+$0x0] =	vst.idx.msk $0xffff, v3  }
0x120: {  	[hbm4b:s21+s4] =	stream.linear.scatter [tilespmem:s25], [sflag:$0x4], $0x400, $0x38;
	[tilespmem:$0x10000] =	vst v63  }
0x121: {  	s26 =	simm.s32 $0xF400;
	p0 =	sne.s32 s1, $0x64;
	s22 =	sadd.s32 s0, s9  }
0x122: {  	[hbm4b:s22+s4] =	stream.linear.scatter [tilespmem:s26], [sflag:$0x4], $0x400, $0x38;
	[tilespmem:$0x10000] =	vst v63  }
.Ltmp5:
0x123: {  	_ = 	snop;
	(pc) =	sbr.rel @p0 .LBB2_2-.Ltmp5, $4  }
0x124: {  	s29 =	simm.s32 $0xF800;
	s28 =	sadd.s32 s0, s10  }
0x125: {  	[hbm4b:s28+s4] =	stream.linear.scatter [tilespmem:s29], [sflag:$0x4], $0x400, $0x38;
	[tilespmem:$0x10000] =	vst v63  }
0x126: {  	s30 =	simm.s32 $0xFC00;
	s0 =	sadd.s32 s0, s11  }
0x127: {  	[hbm4b:s0+s4] =	stream.linear.scatter [tilespmem:s30], [sflag:$0x4], $0x400, $0x38;
	[tilespmem:$0x10000] =	vst v63  }
0x128: {  	s0 =	simm.s32 $0x3  }
0x129: {  	_ =	swait.ge [sflag:s0], $0x400  }
0x12a: {  	[sflag:s0] =	ssyncset.done $0x0  }
0x12b: {  	[sflag:s0] =	ssyncadd.s32 $0xFFFFFC00  }
0x12c: {  	_ =	swait.ge [sflag:s0], $0x400  }
0x12d: {  	[sflag:s0] =	ssyncset.done $0x0  }
0x12e: {  	[sflag:s0] =	ssyncadd.s32 $0xFFFFFC00  }
0x12f: {  	_ =	swait.ge [sflag:s0], $0x400  }
0x130: {  	[sflag:s0] =	ssyncset.done $0x0  }
0x131: {  	[sflag:s0] =	ssyncadd.s32 $0xFFFFFC00  }
0x132: {  	_ =	swait.ge [sflag:s0], $0x400  }
0x133: {  	[sflag:s0] =	ssyncset.done $0x0  }
0x134: {  	[sflag:s0] =	ssyncadd.s32 $0xFFFFFC00  }
0x135: {  	_ =	swait.ge [sflag:s24], $0x400  }
0x136: {  	[sflag:s24] =	ssyncset.done $0x0  }
0x137: {  	[sflag:s24] =	ssyncadd.s32 $0xFFFFFC00  }
0x138: {  	_ =	swait.ge [sflag:s24], $0x400  }
0x139: {  	[sflag:s24] =	ssyncset.done $0x0  }
0x13a: {  	[sflag:s24] =	ssyncadd.s32 $0xFFFFFC00  }
0x13b: {  	_ =	swait.ge [sflag:s24], $0x400  }
0x13c: {  	[sflag:s24] =	ssyncset.done $0x0  }
0x13d: {  	[sflag:s24] =	ssyncadd.s32 $0xFFFFFC00  }
0x13e: {  	_ =	swait.ge [sflag:s24], $0x400  }
0x13f: {  	s1 =	rddreg [dreg:$0x9]  }
0x140: {  	s30 =	rddreg [dreg:$0x8];
	s1 =	sadd.s32 $0x1, s1  }
0x141: {  	p0 =	sne.s32 s1, s30  }
.Ltmp6:
0x142: {  	_ = 	snop;
	(pc) =	sbr.rel @p0 .LBB2_1-.Ltmp6, $3  }
0x143: {  	_ =	sdelay $0x1  }
0x144: {  	[sflag:s24] =	ssyncset.done $0x0  }
0x145: {  	[sflag:s24] =	ssyncadd.s32 $0xFFFFFC00  }
0x146: {  	_ =	sfence.sel $0x180000  }
0x147: {  	[bflag:$0x0] =	sbarrier.arrive $0xFFFF  }
0x148: {  	_ =	strace $0x90000047  }
0x149: {  	s0 =	stileid.u32;
	[bflag:$0x2] =	sbarrier.arrive $0xFFFF  }
0x14a: {  	p0 =	sne.s32 s0, $0x0;
	s0 =	rddreg [dreg:$0x2]  }
0x14b: {  	s0 =	sadd.s32 @!p0 $0x100000, s0  }
0x14c: {  	[sflag:s0] =	ssyncadd.tile.s32 @!p0 $0x1;
	_ =	shalt  }
.Lfunc_end2:
_tile_overlayer_lowered:
.L_overlay_start_2:
0x14d: {  	(tag) =	ssettag $0x2  }
0x14e: {  	s0 =	rddreg [dreg:$0x0];
	s2 =	stileid.u32  }
0x14f: {  	s1 =	rddreg [dreg:$0x1];
	p0 =	sne.s32 s2, $0x0  }
0x150: {  	s3 =	rddreg [dreg:$0x2];
	[bflag:$0x3] =	sbarrier.arrive $0xFFFF;
	s2 =	simm.s32 @!p0 $0x1C05  }
0x151: {  	[timem:s3], [sflag:s2] =	dma.local @!p0 [hbm:s0], s1  }
0x152: {  	s0 =	simm.s32 @!p0 $0x5  }
0x153: {  	_ =	swait.ge @!p0 [sflag:s0], s1  }
0x154: {  	s1 =	ssub.s32 @!p0 $0x0, s1;
	[sflag:s0] =	ssyncset.done @!p0 $0x0  }
0x155: {  	[sflag:s0] =	ssyncadd.s32 @!p0 s1  }
0x156: {  	[bflag:$0x3] =	sbarrier.arrive $0xFFFF  }
0x157: {  	_ =	shalt  }

</sc_bundles>
